<compile_context>
chip_gen: v7x
topology: tpu7x:2x2x1
jax: 0.10.2.dev20260603
libtpu: 0.0.44.dev20260713+nightly
codegen_flags: <defaults>
</compile_context>

<pallas_src>
import functools

import jax
import jax.numpy as jnp
from jax import lax
from jax.experimental import pallas as pl
from jax.experimental.pallas import tpu as pltpu
from jax.experimental.pallas import tpu_sc as plsc

N1 = 32768
N2 = 8192
B = 4
DF = 64
DC = 64
C = N2 // B
R = 4096
BLOCKS_PER_CLOUD = (N1 // B) // R


def _nn_body(xyz1t_ref, xyz2_ref, i0, i1, i2, w0, w1, w2):
    xft = xyz1t_ref[...]
    xc = xyz2_ref[...]
    sqf = jnp.sum(xft * xft, axis=0, keepdims=True)
    sqc = jnp.sum(xc * xc, axis=1, keepdims=True)
    prod = jnp.dot(xc, xft, preferred_element_type=jnp.float32)
    d2 = (sqf + sqc) - 2.0 * prod
    iota = lax.broadcasted_iota(jnp.int32, d2.shape, 0)
    ms, isels = [], []
    for k in range(3):
        m = jnp.min(d2, axis=0, keepdims=True)
        isel = jnp.min(jnp.where(d2 == m, iota, C), axis=0, keepdims=True)
        ms.append(m)
        isels.append(isel)
        if k < 2:
            d2 = jnp.where(iota == isel, jnp.float32(jnp.inf), d2)
    dist = jnp.maximum(jnp.concatenate(ms, axis=0), 0.0)
    recip = 1.0 / (dist + 1e-8)
    w = recip / jnp.sum(recip, axis=0, keepdims=True)
    cloud = pl.program_id(0) // BLOCKS_PER_CLOUD
    for k, ref in enumerate((i0, i1, i2)):
        ref[...] = (isels[k] + cloud * C).reshape(R)
    for k, ref in enumerate((w0, w1, w2)):
        ref[...] = w[k, :].reshape(R)


def _phase1(xyz1, xyz2, interpret=False):
    return pl.pallas_call(
        _nn_body,
        grid=(N1 // R,),
        in_specs=[
            pl.BlockSpec((3, R), lambda i: (0, i)),
            pl.BlockSpec((C, 3), lambda i: (i // BLOCKS_PER_CLOUD, 0)),
        ],
        out_specs=[pl.BlockSpec((R,), lambda i: (i,))] * 6,
        out_shape=[jax.ShapeDtypeStruct((N1,), jnp.int32)] * 3
        + [jax.ShapeDtypeStruct((N1,), jnp.float32)] * 3,
        interpret=interpret,
    )(xyz1, xyz2)


_SC_NUM_CORES = 2
_SC_NUM_SUBCORES = 16
NW = _SC_NUM_CORES * _SC_NUM_SUBCORES
PW = N1 // NW
CH = 128
NCH = PW // CH


def _interp_sc_body(ih0, ih1, ih2, wh0, wh1, wh2, feat2_hbm, out_hbm,
                    i0, i1, i2, w0, w1, w2, r0, r1, r2, acc_v,
                    s0, s1, s2, osem):
    wid = lax.axis_index("s") * _SC_NUM_CORES + lax.axis_index("c")
    base = wid * PW
    ihs = (ih0, ih1, ih2)
    whs = (wh0, wh1, wh2)
    idx_vs = (i0, i1, i2)
    w_vs = (w0, w1, w2)
    row_vs = (r0, r1, r2)
    sems = (s0, s1, s2)

    def chunk_body(ci, _):
        pbase = base + ci * CH
        copies = []
        for k in range(3):
            pltpu.sync_copy(ihs[k].at[pl.ds(pbase, CH)], idx_vs[k])
            pltpu.sync_copy(whs[k].at[pl.ds(pbase, CH)],
                            w_vs[k].at[pl.ds(0, CH)])
            copies.append(pltpu.async_copy(
                feat2_hbm.at[idx_vs[k]], row_vs[k], sems[k]))
        for cp in copies:
            cp.wait()

        def point_body(g, _):
            for u in range(4):
                p = g * 4 + u
                wk = [jnp.full((16,), w_vs[k][pl.ds(p, 16)][0], jnp.float32)
                      for k in range(3)]
                for cc in range(DC // 16):
                    sl = pl.ds(cc * 16, 16)
                    acc = (wk[0] * r0[p, sl] + wk[1] * r1[p, sl]
                           + wk[2] * r2[p, sl])
                    acc_v[p, sl] = acc
            return 0

        lax.fori_loop(0, CH // 4, point_body, 0)
        pltpu.async_copy(acc_v, out_hbm.at[pl.ds(pbase, CH), :], osem).wait()
        return 0

    lax.fori_loop(0, NCH, chunk_body, 0)




def _phase2_sc(i0, i1, i2, w0, w1, w2, feature2):
    mesh = plsc.VectorSubcoreMesh(core_axis_name="c", subcore_axis_name="s")
    fn = functools.partial(
        pl.kernel,
        mesh=mesh,
        out_type=jax.ShapeDtypeStruct((N1, 128), jnp.float32),
        scratch_types=(
            [pltpu.VMEM((CH,), jnp.int32)] * 3
            + [pltpu.VMEM((CH + 16,), jnp.float32)] * 3
            + [pltpu.VMEM((CH, 128), jnp.float32)] * 3
            + [pltpu.VMEM((CH, 128), jnp.float32)]
            + [pltpu.SemaphoreType.DMA] * 4
        ),
    )(_interp_sc_body)
    return fn(i0, i1, i2, w0, w1, w2, feature2)


def _ln_relu(x, g, b):
    mu = jnp.mean(x, axis=1, keepdims=True)
    var = jnp.mean((x - mu) ** 2, axis=1, keepdims=True)
    return jnp.maximum((x - mu) / jnp.sqrt(var + 1e-5) * g + b, 0.0)


def _mlp_body(f1_ref, it_ref, w1_ref, b1_ref, g1_ref, be1_ref,
              w2_ref, b2_ref, g2_ref, be2_ref, o_ref):
    f1 = f1_ref[...]
    it = it_ref[:, 0:DC]
    x = (jnp.dot(f1, w1_ref[0:DF, :], preferred_element_type=jnp.float32)
         + jnp.dot(it, w1_ref[DF:DF + DC, :], preferred_element_type=jnp.float32)
         + b1_ref[...])
    x = _ln_relu(x, g1_ref[...], be1_ref[...])
    x = jnp.dot(x, w2_ref[...], preferred_element_type=jnp.float32) + b2_ref[...]
    o_ref[...] = _ln_relu(x, g2_ref[...], be2_ref[...])


def _phase3(feature1, interp, W1, b1, g1, be1, W2, b2, g2, be2,
            interpret=False):
    full = lambda a, b: pl.BlockSpec((a, b), lambda i: (0, 0))
    return pl.pallas_call(
        _mlp_body,
        grid=(N1 // R,),
        in_specs=[
            pl.BlockSpec((R, DF), lambda i: (i, 0)),
            pl.BlockSpec((R, 128), lambda i: (i, 0)),
            full(DF + DC, 64), full(1, 64), full(1, 64), full(1, 64),
            full(64, 64), full(1, 64), full(1, 64), full(1, 64),
        ],
        out_specs=pl.BlockSpec((R, 64), lambda i: (i, 0)),
        out_shape=jax.ShapeDtypeStruct((N1, 64), jnp.float32),
        interpret=interpret,
    )(feature1, interp, W1, b1.reshape(1, -1), g1.reshape(1, -1),
      be1.reshape(1, -1), W2, b2.reshape(1, -1), g2.reshape(1, -1),
      be2.reshape(1, -1))


def kernel(xyz1, xyz2, feature1, feature2, offset1, offset2,
           W1, b1, g1, be1, W2, b2, g2, be2):
    i0, i1, i2, w0, w1, w2 = _phase1(xyz1.T, xyz2)
    feature2p = jnp.pad(feature2, ((0, 0), (0, 128 - DC)))
    interp = _phase2_sc(i0, i1, i2, w0, w1, w2, feature2p)
    return _phase3(feature1, interp, W1, b1, g1, be1, W2, b2, g2, be2)

# --- scband reference (transcript-rebuilt; emitter-appended) ---
"""Pipeline reference for scband-feature-propagation-23115513987445 (READ-ONLY COPY).

The authoritative reference and input builder live on the scoring server;
editing this copy changes nothing except your own understanding.
"""

import jax, jax.numpy as jnp
import numpy as np

N1 = 32768
N2 = 8192
B = 4
D_FINE = 64
D_COARSE = 64
OUTS = (64, 64)


def _layer_norm(x, g, b, eps=1e-5):
    mu = jnp.mean(x, axis=-1, keepdims=True)
    var = jnp.mean((x - mu) ** 2, axis=-1, keepdims=True)
    return (x - mu) / jnp.sqrt(var + eps) * g + b


def _interpolation(xyz2, xyz1, feature2, offset2, offset1):
    # pointops-style 3-NN inverse-distance interpolation from coarse (xyz2) to fine (xyz1),
    # per-cloud according to cumulative offsets.
    nb = offset1.shape[0]
    n1 = xyz1.shape[0] // nb
    n2 = xyz2.shape[0] // nb
    starts1 = jnp.concatenate([jnp.zeros((1,), offset1.dtype), offset1[:-1]])
    starts2 = jnp.concatenate([jnp.zeros((1,), offset2.dtype), offset2[:-1]])
    outs = []
    for bi in range(nb):
        xf = jax.lax.dynamic_slice(xyz1, (starts1[bi], 0), (n1, xyz1.shape[1]))
        xc = jax.lax.dynamic_slice(xyz2, (starts2[bi], 0), (n2, xyz2.shape[1]))
        fc = jax.lax.dynamic_slice(feature2, (starts2[bi], 0), (n2, feature2.shape[1]))
        d2 = (jnp.sum(xf * xf, axis=1)[:, None]
              + jnp.sum(xc * xc, axis=1)[None, :]
              - 2.0 * (xf @ xc.T))
        neg_d, idx = jax.lax.top_k(-d2, 3)
        dist = jnp.maximum(-neg_d, 0.0)
        recip = 1.0 / (dist + 1e-8)
        w = recip / jnp.sum(recip, axis=1, keepdims=True)
        gathered = jnp.take(fc, idx, axis=0)  # [n1, 3, d]
        outs.append(jnp.sum(gathered * w[:, :, None], axis=1))
    return jnp.concatenate(outs, axis=0)


def setup_inputs(seed: int = 0):
    key = jax.random.key(seed)
    ks = jax.random.split(key, 8)
    xyz1 = jax.random.uniform(ks[0], (N1, 3), dtype=jnp.float32) * 10.0
    xyz2 = jax.random.uniform(ks[1], (N2, 3), dtype=jnp.float32) * 10.0
    feature1 = jax.random.normal(ks[2], (N1, D_FINE), dtype=jnp.float32)
    feature2 = jax.random.normal(ks[3], (N2, D_COARSE), dtype=jnp.float32)
    offset1 = jnp.arange(1, B + 1, dtype=jnp.int32) * (N1 // B)
    offset2 = jnp.arange(1, B + 1, dtype=jnp.int32) * (N2 // B)
    c_in = D_FINE + D_COARSE
    W1 = jax.random.normal(ks[4], (c_in, OUTS[0]), dtype=jnp.float32) * (1.0 / np.sqrt(c_in))
    b1 = jnp.zeros((OUTS[0],), dtype=jnp.float32)
    g1 = jnp.ones((OUTS[0],), dtype=jnp.float32)
    be1 = jnp.zeros((OUTS[0],), dtype=jnp.float32)
    W2 = jax.random.normal(ks[5], (OUTS[0], OUTS[1]), dtype=jnp.float32) * (1.0 / np.sqrt(OUTS[0]))
    b2 = jnp.zeros((OUTS[1],), dtype=jnp.float32)
    g2 = jnp.ones((OUTS[1],), dtype=jnp.float32)
    be2 = jnp.zeros((OUTS[1],), dtype=jnp.float32)
    return {
        "xyz1": xyz1, "xyz2": xyz2,
        "feature1": feature1, "feature2": feature2,
        "offset1": offset1, "offset2": offset2,
        "W1": W1, "b1": b1, "g1": g1, "be1": be1,
        "W2": W2, "b2": b2, "g2": g2, "be2": be2,
    }


def reference(xyz1, xyz2, feature1, feature2, offset1, offset2,
              W1, b1, g1, be1, W2, b2, g2, be2):
    interp = _interpolation(xyz2, xyz1, feature2, offset2, offset1)
    x = jnp.concatenate([feature1, interp], axis=1)
    x = jax.nn.relu(_layer_norm(x @ W1 + b1, g1, be1))
    x = jax.nn.relu(_layer_norm(x @ W2 + b2, g2, be2))
    return x

if __name__ == "__main__":
    import jax
    _d = setup_inputs()
    print(jax.jit(kernel)(*tuple(_d.values())))

</pallas_src>

<mosaic_0001>
#map = affine_map<(d0, d1) -> (0)>
#map1 = affine_map<(d0, d1) -> (0, 0)>
module attributes {stable_mosaic.version = 14 : i64} {
  func.func @_interp_sc_body(%arg0: i32, %arg1: i32, %arg2: memref<32768xi32, #tpu.memory_space<hbm>>, %arg3: memref<32768xi32, #tpu.memory_space<hbm>>, %arg4: memref<32768xi32, #tpu.memory_space<hbm>>, %arg5: memref<32768xf32, #tpu.memory_space<hbm>>, %arg6: memref<32768xf32, #tpu.memory_space<hbm>>, %arg7: memref<32768xf32, #tpu.memory_space<hbm>>, %arg8: memref<8192x128xf32, #tpu.memory_space<hbm>>, %arg9: memref<32768x128xf32, #tpu.memory_space<hbm>>, %arg10: memref<128xi32, #tpu.memory_space<vmem>>, %arg11: memref<128xi32, #tpu.memory_space<vmem>>, %arg12: memref<128xi32, #tpu.memory_space<vmem>>, %arg13: memref<144xf32, #tpu.memory_space<vmem>>, %arg14: memref<144xf32, #tpu.memory_space<vmem>>, %arg15: memref<144xf32, #tpu.memory_space<vmem>>, %arg16: memref<128x128xf32, #tpu.memory_space<vmem>>, %arg17: memref<128x128xf32, #tpu.memory_space<vmem>>, %arg18: memref<128x128xf32, #tpu.memory_space<vmem>>, %arg19: memref<128x128xf32, #tpu.memory_space<vmem>>, %arg20: memref<!tpu.dma_semaphore, #tpu.memory_space<semaphore_mem>>, %arg21: memref<!tpu.dma_semaphore, #tpu.memory_space<semaphore_mem>>, %arg22: memref<!tpu.dma_semaphore, #tpu.memory_space<semaphore_mem>>, %arg23: memref<!tpu.dma_semaphore, #tpu.memory_space<semaphore_mem>>) attributes {dimension_semantics = [#tpu.dimension_semantics<core_parallel>, #tpu.dimension_semantics<subcore_parallel>], iteration_bounds = array<i64: 2, 16>, scalar_prefetch = 0 : i64, scratch_operands = 14 : i64, tpu.core_type = #tpu.core_type<sc_vector_subcore>, window_params = [{transform_indices = #map}, {transform_indices = #map}, {transform_indices = #map}, {transform_indices = #map}, {transform_indices = #map}, {transform_indices = #map}, {transform_indices = #map1}, {transform_indices = #map1}]} {
    %mul3A = arith.constant 2 : i32
    %mul3A_0 = arith.muli %arg1, %mul3A : i32
    %add3A = arith.addi %mul3A_0, %arg0 : i32
    %mul3A_1 = arith.constant 1024 : i32
    %mul3A_2 = arith.muli %add3A, %mul3A_1 : i32
    %scan3A = arith.constant 0 : i32
    %scan3A_3 = arith.constant 0 : i32
    %scan3A_4 = arith.constant 8 : i32
    %scan3A_5 = arith.addi %scan3A_3, %scan3A_4 : i32
    %scan3A_6 = arith.constant 1 : i32
    %scan3A_7 = scf.for %scan3A_9 = %scan3A_3 to %scan3A_5 step %scan3A_6 iter_args(%scan3A_10 = %scan3A) -> (i32)  : i32 {
      %mul3A_11 = arith.constant 128 : i32
      %mul3A_12 = arith.muli %scan3A_9, %mul3A_11 : i32
      %add3A_13 = arith.addi %mul3A_2, %mul3A_12 : i32
      "tpu.region"() ({
        %run_scoped3A = tpu.sem_alloc : memref<!tpu.dma_semaphore, #tpu.memory_space<semaphore_mem>>
        %dma_start3A_46 = tpu.memref_slice %arg2[%add3A_13] : memref<32768xi32, #tpu.memory_space<hbm>> -> memref<128xi32, #tpu.memory_space<hbm>>
        %dma_start3A_47 = tpu.memref_slice %arg2[%add3A_13] : memref<32768xi32, #tpu.memory_space<hbm>> -> memref<128xi32, #tpu.memory_space<hbm>>
        tpu.enqueue_dma source(%dma_start3A_47 : memref<128xi32, #tpu.memory_space<hbm>>) target(%arg10 : memref<128xi32, #tpu.memory_space<vmem>>) target_semaphore(%run_scoped3A : memref<!tpu.dma_semaphore, #tpu.memory_space<semaphore_mem>>)
        %dma_wait3A_48 = tpu.memref_slice %arg2[%add3A_13] : memref<32768xi32, #tpu.memory_space<hbm>> -> memref<128xi32, #tpu.memory_space<hbm>>
        %dma_wait3A_49 = tpu.memref_slice %arg2[%add3A_13] : memref<32768xi32, #tpu.memory_space<hbm>> -> memref<128xi32, #tpu.memory_space<hbm>>
        tpu.wait_dma2 semaphore(%run_scoped3A : memref<!tpu.dma_semaphore, #tpu.memory_space<semaphore_mem>>) src(%dma_wait3A_49 : memref<128xi32, #tpu.memory_space<hbm>>) dst(%arg10 : memref<128xi32, #tpu.memory_space<vmem>>)
        tpu.yield
      }) : () -> ()
      "tpu.region"() ({
        %run_scoped3A = tpu.sem_alloc : memref<!tpu.dma_semaphore, #tpu.memory_space<semaphore_mem>>
        %dma_start3A_46 = arith.constant 0 : i32
        %dma_start3A_47 = tpu.memref_slice %arg13[%dma_start3A_46] : memref<144xf32, #tpu.memory_space<vmem>> -> memref<128xf32, #tpu.memory_space<vmem>>
        %dma_start3A_48 = tpu.memref_slice %arg5[%add3A_13] : memref<32768xf32, #tpu.memory_space<hbm>> -> memref<128xf32, #tpu.memory_space<hbm>>
        %dma_start3A_49 = arith.constant 0 : i32
        %dma_start3A_50 = tpu.memref_slice %arg13[%dma_start3A_49] : memref<144xf32, #tpu.memory_space<vmem>> -> memref<128xf32, #tpu.memory_space<vmem>>
        %dma_start3A_51 = tpu.memref_slice %arg5[%add3A_13] : memref<32768xf32, #tpu.memory_space<hbm>> -> memref<128xf32, #tpu.memory_space<hbm>>
        tpu.enqueue_dma source(%dma_start3A_51 : memref<128xf32, #tpu.memory_space<hbm>>) target(%dma_start3A_50 : memref<128xf32, #tpu.memory_space<vmem>>) target_semaphore(%run_scoped3A : memref<!tpu.dma_semaphore, #tpu.memory_space<semaphore_mem>>)
        %dma_wait3A_52 = arith.constant 0 : i32
        %dma_wait3A_53 = tpu.memref_slice %arg13[%dma_wait3A_52] : memref<144xf32, #tpu.memory_space<vmem>> -> memref<128xf32, #tpu.memory_space<vmem>>
        %dma_wait3A_54 = tpu.memref_slice %arg5[%add3A_13] : memref<32768xf32, #tpu.memory_space<hbm>> -> memref<128xf32, #tpu.memory_space<hbm>>
        %dma_wait3A_55 = arith.constant 0 : i32
        %dma_wait3A_56 = tpu.memref_slice %arg13[%dma_wait3A_55] : memref<144xf32, #tpu.memory_space<vmem>> -> memref<128xf32, #tpu.memory_space<vmem>>
        %dma_wait3A_57 = tpu.memref_slice %arg5[%add3A_13] : memref<32768xf32, #tpu.memory_space<hbm>> -> memref<128xf32, #tpu.memory_space<hbm>>
        tpu.wait_dma2 semaphore(%run_scoped3A : memref<!tpu.dma_semaphore, #tpu.memory_space<semaphore_mem>>) src(%dma_wait3A_57 : memref<128xf32, #tpu.memory_space<hbm>>) dst(%dma_wait3A_56 : memref<128xf32, #tpu.memory_space<vmem>>)
        tpu.yield
      }) : () -> ()
      %dma_start3A = arith.constant 0 : i32
      %dma_start3A_14 = arith.constant 0 : i32
      %dma_start3A_15 = tpu.memref_slice %arg8[%dma_start3A, %dma_start3A_14] : memref<8192x128xf32, #tpu.memory_space<hbm>> -> memref<8192x128xf32, #tpu.memory_space<hbm>>
      tpu.enqueue_indirect_dma source(%dma_start3A_15 : memref<8192x128xf32, #tpu.memory_space<hbm>>) target(%arg16 : memref<128x128xf32, #tpu.memory_space<vmem>>) offsets(%arg10 : memref<128xi32, #tpu.memory_space<vmem>>) semaphore(%arg20 : memref<!tpu.dma_semaphore, #tpu.memory_space<semaphore_mem>>)
      "tpu.region"() ({
        %run_scoped3A = tpu.sem_alloc : memref<!tpu.dma_semaphore, #tpu.memory_space<semaphore_mem>>
        %dma_start3A_46 = tpu.memref_slice %arg3[%add3A_13] : memref<32768xi32, #tpu.memory_space<hbm>> -> memref<128xi32, #tpu.memory_space<hbm>>
        %dma_start3A_47 = tpu.memref_slice %arg3[%add3A_13] : memref<32768xi32, #tpu.memory_space<hbm>> -> memref<128xi32, #tpu.memory_space<hbm>>
        tpu.enqueue_dma source(%dma_start3A_47 : memref<128xi32, #tpu.memory_space<hbm>>) target(%arg11 : memref<128xi32, #tpu.memory_space<vmem>>) target_semaphore(%run_scoped3A : memref<!tpu.dma_semaphore, #tpu.memory_space<semaphore_mem>>)
        %dma_wait3A_48 = tpu.memref_slice %arg3[%add3A_13] : memref<32768xi32, #tpu.memory_space<hbm>> -> memref<128xi32, #tpu.memory_space<hbm>>
        %dma_wait3A_49 = tpu.memref_slice %arg3[%add3A_13] : memref<32768xi32, #tpu.memory_space<hbm>> -> memref<128xi32, #tpu.memory_space<hbm>>
        tpu.wait_dma2 semaphore(%run_scoped3A : memref<!tpu.dma_semaphore, #tpu.memory_space<semaphore_mem>>) src(%dma_wait3A_49 : memref<128xi32, #tpu.memory_space<hbm>>) dst(%arg11 : memref<128xi32, #tpu.memory_space<vmem>>)
        tpu.yield
      }) : () -> ()
      "tpu.region"() ({
        %run_scoped3A = tpu.sem_alloc : memref<!tpu.dma_semaphore, #tpu.memory_space<semaphore_mem>>
        %dma_start3A_46 = arith.constant 0 : i32
        %dma_start3A_47 = tpu.memref_slice %arg14[%dma_start3A_46] : memref<144xf32, #tpu.memory_space<vmem>> -> memref<128xf32, #tpu.memory_space<vmem>>
        %dma_start3A_48 = tpu.memref_slice %arg6[%add3A_13] : memref<32768xf32, #tpu.memory_space<hbm>> -> memref<128xf32, #tpu.memory_space<hbm>>
        %dma_start3A_49 = arith.constant 0 : i32
        %dma_start3A_50 = tpu.memref_slice %arg14[%dma_start3A_49] : memref<144xf32, #tpu.memory_space<vmem>> -> memref<128xf32, #tpu.memory_space<vmem>>
        %dma_start3A_51 = tpu.memref_slice %arg6[%add3A_13] : memref<32768xf32, #tpu.memory_space<hbm>> -> memref<128xf32, #tpu.memory_space<hbm>>
        tpu.enqueue_dma source(%dma_start3A_51 : memref<128xf32, #tpu.memory_space<hbm>>) target(%dma_start3A_50 : memref<128xf32, #tpu.memory_space<vmem>>) target_semaphore(%run_scoped3A : memref<!tpu.dma_semaphore, #tpu.memory_space<semaphore_mem>>)
        %dma_wait3A_52 = arith.constant 0 : i32
        %dma_wait3A_53 = tpu.memref_slice %arg14[%dma_wait3A_52] : memref<144xf32, #tpu.memory_space<vmem>> -> memref<128xf32, #tpu.memory_space<vmem>>
        %dma_wait3A_54 = tpu.memref_slice %arg6[%add3A_13] : memref<32768xf32, #tpu.memory_space<hbm>> -> memref<128xf32, #tpu.memory_space<hbm>>
        %dma_wait3A_55 = arith.constant 0 : i32
        %dma_wait3A_56 = tpu.memref_slice %arg14[%dma_wait3A_55] : memref<144xf32, #tpu.memory_space<vmem>> -> memref<128xf32, #tpu.memory_space<vmem>>
        %dma_wait3A_57 = tpu.memref_slice %arg6[%add3A_13] : memref<32768xf32, #tpu.memory_space<hbm>> -> memref<128xf32, #tpu.memory_space<hbm>>
        tpu.wait_dma2 semaphore(%run_scoped3A : memref<!tpu.dma_semaphore, #tpu.memory_space<semaphore_mem>>) src(%dma_wait3A_57 : memref<128xf32, #tpu.memory_space<hbm>>) dst(%dma_wait3A_56 : memref<128xf32, #tpu.memory_space<vmem>>)
        tpu.yield
      }) : () -> ()
      %dma_start3A_16 = arith.constant 0 : i32
      %dma_start3A_17 = arith.constant 0 : i32
      %dma_start3A_18 = tpu.memref_slice %arg8[%dma_start3A_16, %dma_start3A_17] : memref<8192x128xf32, #tpu.memory_space<hbm>> -> memref<8192x128xf32, #tpu.memory_space<hbm>>
      tpu.enqueue_indirect_dma source(%dma_start3A_18 : memref<8192x128xf32, #tpu.memory_space<hbm>>) target(%arg17 : memref<128x128xf32, #tpu.memory_space<vmem>>) offsets(%arg11 : memref<128xi32, #tpu.memory_space<vmem>>) semaphore(%arg21 : memref<!tpu.dma_semaphore, #tpu.memory_space<semaphore_mem>>)
      "tpu.region"() ({
        %run_scoped3A = tpu.sem_alloc : memref<!tpu.dma_semaphore, #tpu.memory_space<semaphore_mem>>
        %dma_start3A_46 = tpu.memref_slice %arg4[%add3A_13] : memref<32768xi32, #tpu.memory_space<hbm>> -> memref<128xi32, #tpu.memory_space<hbm>>
        %dma_start3A_47 = tpu.memref_slice %arg4[%add3A_13] : memref<32768xi32, #tpu.memory_space<hbm>> -> memref<128xi32, #tpu.memory_space<hbm>>
        tpu.enqueue_dma source(%dma_start3A_47 : memref<128xi32, #tpu.memory_space<hbm>>) target(%arg12 : memref<128xi32, #tpu.memory_space<vmem>>) target_semaphore(%run_scoped3A : memref<!tpu.dma_semaphore, #tpu.memory_space<semaphore_mem>>)
        %dma_wait3A_48 = tpu.memref_slice %arg4[%add3A_13] : memref<32768xi32, #tpu.memory_space<hbm>> -> memref<128xi32, #tpu.memory_space<hbm>>
        %dma_wait3A_49 = tpu.memref_slice %arg4[%add3A_13] : memref<32768xi32, #tpu.memory_space<hbm>> -> memref<128xi32, #tpu.memory_space<hbm>>
        tpu.wait_dma2 semaphore(%run_scoped3A : memref<!tpu.dma_semaphore, #tpu.memory_space<semaphore_mem>>) src(%dma_wait3A_49 : memref<128xi32, #tpu.memory_space<hbm>>) dst(%arg12 : memref<128xi32, #tpu.memory_space<vmem>>)
        tpu.yield
      }) : () -> ()
      "tpu.region"() ({
        %run_scoped3A = tpu.sem_alloc : memref<!tpu.dma_semaphore, #tpu.memory_space<semaphore_mem>>
        %dma_start3A_46 = arith.constant 0 : i32
        %dma_start3A_47 = tpu.memref_slice %arg15[%dma_start3A_46] : memref<144xf32, #tpu.memory_space<vmem>> -> memref<128xf32, #tpu.memory_space<vmem>>
        %dma_start3A_48 = tpu.memref_slice %arg7[%add3A_13] : memref<32768xf32, #tpu.memory_space<hbm>> -> memref<128xf32, #tpu.memory_space<hbm>>
        %dma_start3A_49 = arith.constant 0 : i32
        %dma_start3A_50 = tpu.memref_slice %arg15[%dma_start3A_49] : memref<144xf32, #tpu.memory_space<vmem>> -> memref<128xf32, #tpu.memory_space<vmem>>
        %dma_start3A_51 = tpu.memref_slice %arg7[%add3A_13] : memref<32768xf32, #tpu.memory_space<hbm>> -> memref<128xf32, #tpu.memory_space<hbm>>
        tpu.enqueue_dma source(%dma_start3A_51 : memref<128xf32, #tpu.memory_space<hbm>>) target(%dma_start3A_50 : memref<128xf32, #tpu.memory_space<vmem>>) target_semaphore(%run_scoped3A : memref<!tpu.dma_semaphore, #tpu.memory_space<semaphore_mem>>)
        %dma_wait3A_52 = arith.constant 0 : i32
        %dma_wait3A_53 = tpu.memref_slice %arg15[%dma_wait3A_52] : memref<144xf32, #tpu.memory_space<vmem>> -> memref<128xf32, #tpu.memory_space<vmem>>
        %dma_wait3A_54 = tpu.memref_slice %arg7[%add3A_13] : memref<32768xf32, #tpu.memory_space<hbm>> -> memref<128xf32, #tpu.memory_space<hbm>>
        %dma_wait3A_55 = arith.constant 0 : i32
        %dma_wait3A_56 = tpu.memref_slice %arg15[%dma_wait3A_55] : memref<144xf32, #tpu.memory_space<vmem>> -> memref<128xf32, #tpu.memory_space<vmem>>
        %dma_wait3A_57 = tpu.memref_slice %arg7[%add3A_13] : memref<32768xf32, #tpu.memory_space<hbm>> -> memref<128xf32, #tpu.memory_space<hbm>>
        tpu.wait_dma2 semaphore(%run_scoped3A : memref<!tpu.dma_semaphore, #tpu.memory_space<semaphore_mem>>) src(%dma_wait3A_57 : memref<128xf32, #tpu.memory_space<hbm>>) dst(%dma_wait3A_56 : memref<128xf32, #tpu.memory_space<vmem>>)
        tpu.yield
      }) : () -> ()
      %dma_start3A_19 = arith.constant 0 : i32
      %dma_start3A_20 = arith.constant 0 : i32
      %dma_start3A_21 = tpu.memref_slice %arg8[%dma_start3A_19, %dma_start3A_20] : memref<8192x128xf32, #tpu.memory_space<hbm>> -> memref<8192x128xf32, #tpu.memory_space<hbm>>
      tpu.enqueue_indirect_dma source(%dma_start3A_21 : memref<8192x128xf32, #tpu.memory_space<hbm>>) target(%arg18 : memref<128x128xf32, #tpu.memory_space<vmem>>) offsets(%arg12 : memref<128xi32, #tpu.memory_space<vmem>>) semaphore(%arg22 : memref<!tpu.dma_semaphore, #tpu.memory_space<semaphore_mem>>)
      %dma_wait3A = arith.constant 0 : i32
      %dma_wait3A_22 = arith.constant 0 : i32
      %dma_wait3A_23 = tpu.memref_slice %arg8[%dma_wait3A, %dma_wait3A_22] : memref<8192x128xf32, #tpu.memory_space<hbm>> -> memref<8192x128xf32, #tpu.memory_space<hbm>>
      tpu.wait_indirect_dma semaphore(%arg20 : memref<!tpu.dma_semaphore, #tpu.memory_space<semaphore_mem>>) src(%dma_wait3A_23 : memref<8192x128xf32, #tpu.memory_space<hbm>>) dst(%arg16 : memref<128x128xf32, #tpu.memory_space<vmem>>)
      %dma_wait3A_24 = arith.constant 0 : i32
      %dma_wait3A_25 = arith.constant 0 : i32
      %dma_wait3A_26 = tpu.memref_slice %arg8[%dma_wait3A_24, %dma_wait3A_25] : memref<8192x128xf32, #tpu.memory_space<hbm>> -> memref<8192x128xf32, #tpu.memory_space<hbm>>
      tpu.wait_indirect_dma semaphore(%arg21 : memref<!tpu.dma_semaphore, #tpu.memory_space<semaphore_mem>>) src(%dma_wait3A_26 : memref<8192x128xf32, #tpu.memory_space<hbm>>) dst(%arg17 : memref<128x128xf32, #tpu.memory_space<vmem>>)
      %dma_wait3A_27 = arith.constant 0 : i32
      %dma_wait3A_28 = arith.constant 0 : i32
      %dma_wait3A_29 = tpu.memref_slice %arg8[%dma_wait3A_27, %dma_wait3A_28] : memref<8192x128xf32, #tpu.memory_space<hbm>> -> memref<8192x128xf32, #tpu.memory_space<hbm>>
      tpu.wait_indirect_dma semaphore(%arg22 : memref<!tpu.dma_semaphore, #tpu.memory_space<semaphore_mem>>) src(%dma_wait3A_29 : memref<8192x128xf32, #tpu.memory_space<hbm>>) dst(%arg18 : memref<128x128xf32, #tpu.memory_space<vmem>>)
      %scan3A_30 = arith.constant 0 : i32
      %scan3A_31 = arith.constant 0 : i32
      %scan3A_32 = arith.constant 32 : i32
      %scan3A_33 = arith.addi %scan3A_31, %scan3A_32 : i32
      %scan3A_34 = arith.constant 1 : i32
      %scan3A_35 = scf.for %scan3A_46 = %scan3A_31 to %scan3A_33 step %scan3A_34 iter_args(%scan3A_47 = %scan3A_30) -> (i32)  : i32 {
        %mul3A_48 = arith.constant 4 : i32
        %mul3A_49 = arith.muli %scan3A_46, %mul3A_48 : i32
        %add3A_50 = arith.constant 0 : i32
        %add3A_51 = arith.addi %mul3A_49, %add3A_50 : i32
        %get3A = arith.index_cast %add3A_51 : i32 to index
        %get3A_52 = tpu.vector_load %arg13[%get3A] {strides = array<i32>} : memref<144xf32, #tpu.memory_space<vmem>>, vector<16xf32>,
        %get3A_53 = vector.shape_cast %get3A_52 : vector<16xf32> to vector<16xf32>
        %slice3A = vector.extract_strided_slice %get3A_53 {offsets = [0], sizes = [1], strides = [1]} : vector<16xf32> to vector<1xf32>
        %squeeze3A = vector.extract %slice3A[0] : f32 from vector<1xf32>
        %broadcast_in_dim3A = vector.broadcast %squeeze3A : f32 to vector<16xf32>
        %get3A_54 = arith.index_cast %add3A_51 : i32 to index
        %get3A_55 = tpu.vector_load %arg14[%get3A_54] {strides = array<i32>} : memref<144xf32, #tpu.memory_space<vmem>>, vector<16xf32>,
        %get3A_56 = vector.shape_cast %get3A_55 : vector<16xf32> to vector<16xf32>
        %slice3A_57 = vector.extract_strided_slice %get3A_56 {offsets = [0], sizes = [1], strides = [1]} : vector<16xf32> to vector<1xf32>
        %squeeze3A_58 = vector.extract %slice3A_57[0] : f32 from vector<1xf32>
        %broadcast_in_dim3A_59 = vector.broadcast %squeeze3A_58 : f32 to vector<16xf32>
        %get3A_60 = arith.index_cast %add3A_51 : i32 to index
        %get3A_61 = tpu.vector_load %arg15[%get3A_60] {strides = array<i32>} : memref<144xf32, #tpu.memory_space<vmem>>, vector<16xf32>,
        %get3A_62 = vector.shape_cast %get3A_61 : vector<16xf32> to vector<16xf32>
        %slice3A_63 = vector.extract_strided_slice %get3A_62 {offsets = [0], sizes = [1], strides = [1]} : vector<16xf32> to vector<1xf32>
        %squeeze3A_64 = vector.extract %slice3A_63[0] : f32 from vector<1xf32>
        %broadcast_in_dim3A_65 = vector.broadcast %squeeze3A_64 : f32 to vector<16xf32>
        %get3A_66 = arith.index_cast %add3A_51 : i32 to index
        %get3A_67 = arith.constant 0 : index
        %get3A_68 = tpu.vector_load %arg16[%get3A_66, %get3A_67] {strides = array<i32>} : memref<128x128xf32, #tpu.memory_space<vmem>>, vector<1x16xf32>,
        %get3A_69 = vector.shape_cast %get3A_68 : vector<1x16xf32> to vector<16xf32>
        %mul3A_70 = arith.mulf %broadcast_in_dim3A, %get3A_69 : vector<16xf32>
        %get3A_71 = arith.index_cast %add3A_51 : i32 to index
        %get3A_72 = arith.constant 0 : index
        %get3A_73 = tpu.vector_load %arg17[%get3A_71, %get3A_72] {strides = array<i32>} : memref<128x128xf32, #tpu.memory_space<vmem>>, vector<1x16xf32>,
        %get3A_74 = vector.shape_cast %get3A_73 : vector<1x16xf32> to vector<16xf32>
        %mul3A_75 = arith.mulf %broadcast_in_dim3A_59, %get3A_74 : vector<16xf32>
        %add3A_76 = arith.addf %mul3A_70, %mul3A_75 : vector<16xf32>
        %get3A_77 = arith.index_cast %add3A_51 : i32 to index
        %get3A_78 = arith.constant 0 : index
        %get3A_79 = tpu.vector_load %arg18[%get3A_77, %get3A_78] {strides = array<i32>} : memref<128x128xf32, #tpu.memory_space<vmem>>, vector<1x16xf32>,
        %get3A_80 = vector.shape_cast %get3A_79 : vector<1x16xf32> to vector<16xf32>
        %mul3A_81 = arith.mulf %broadcast_in_dim3A_65, %get3A_80 : vector<16xf32>
        %add3A_82 = arith.addf %add3A_76, %mul3A_81 : vector<16xf32>
        %swap3A = arith.index_cast %add3A_51 : i32 to index
        %swap3A_83 = arith.constant 0 : index
        %swap3A_84 = tpu.vector_load %arg19[%swap3A, %swap3A_83] {strides = array<i32>} : memref<128x128xf32, #tpu.memory_space<vmem>>, vector<1x16xf32>,
        %swap3A_85 = vector.shape_cast %swap3A_84 : vector<1x16xf32> to vector<16xf32>
        %swap3A_86 = vector.shape_cast %add3A_82 : vector<16xf32> to vector<1x16xf32>
        tpu.vector_store %arg19[%swap3A, %swap3A_83], %swap3A_86 {strides = array<i32>} : memref<128x128xf32, #tpu.memory_space<vmem>>, vector<1x16xf32>,
        %get3A_87 = arith.index_cast %add3A_51 : i32 to index
        %get3A_88 = arith.constant 16 : index
        %get3A_89 = tpu.vector_load %arg16[%get3A_87, %get3A_88] {strides = array<i32>} : memref<128x128xf32, #tpu.memory_space<vmem>>, vector<1x16xf32>,
        %get3A_90 = vector.shape_cast %get3A_89 : vector<1x16xf32> to vector<16xf32>
        %mul3A_91 = arith.mulf %broadcast_in_dim3A, %get3A_90 : vector<16xf32>
        %get3A_92 = arith.index_cast %add3A_51 : i32 to index
        %get3A_93 = arith.constant 16 : index
        %get3A_94 = tpu.vector_load %arg17[%get3A_92, %get3A_93] {strides = array<i32>} : memref<128x128xf32, #tpu.memory_space<vmem>>, vector<1x16xf32>,
        %get3A_95 = vector.shape_cast %get3A_94 : vector<1x16xf32> to vector<16xf32>
        %mul3A_96 = arith.mulf %broadcast_in_dim3A_59, %get3A_95 : vector<16xf32>
        %add3A_97 = arith.addf %mul3A_91, %mul3A_96 : vector<16xf32>
        %get3A_98 = arith.index_cast %add3A_51 : i32 to index
        %get3A_99 = arith.constant 16 : index
        %get3A_100 = tpu.vector_load %arg18[%get3A_98, %get3A_99] {strides = array<i32>} : memref<128x128xf32, #tpu.memory_space<vmem>>, vector<1x16xf32>,
        %get3A_101 = vector.shape_cast %get3A_100 : vector<1x16xf32> to vector<16xf32>
        %mul3A_102 = arith.mulf %broadcast_in_dim3A_65, %get3A_101 : vector<16xf32>
        %add3A_103 = arith.addf %add3A_97, %mul3A_102 : vector<16xf32>
        %swap3A_104 = arith.index_cast %add3A_51 : i32 to index
        %swap3A_105 = arith.constant 16 : index
        %swap3A_106 = tpu.vector_load %arg19[%swap3A_104, %swap3A_105] {strides = array<i32>} : memref<128x128xf32, #tpu.memory_space<vmem>>, vector<1x16xf32>,
        %swap3A_107 = vector.shape_cast %swap3A_106 : vector<1x16xf32> to vector<16xf32>
        %swap3A_108 = vector.shape_cast %add3A_103 : vector<16xf32> to vector<1x16xf32>
        tpu.vector_store %arg19[%swap3A_104, %swap3A_105], %swap3A_108 {strides = array<i32>} : memref<128x128xf32, #tpu.memory_space<vmem>>, vector<1x16xf32>,
        %get3A_109 = arith.index_cast %add3A_51 : i32 to index
        %get3A_110 = arith.constant 32 : index
        %get3A_111 = tpu.vector_load %arg16[%get3A_109, %get3A_110] {strides = array<i32>} : memref<128x128xf32, #tpu.memory_space<vmem>>, vector<1x16xf32>,
        %get3A_112 = vector.shape_cast %get3A_111 : vector<1x16xf32> to vector<16xf32>
        %mul3A_113 = arith.mulf %broadcast_in_dim3A, %get3A_112 : vector<16xf32>
        %get3A_114 = arith.index_cast %add3A_51 : i32 to index
        %get3A_115 = arith.constant 32 : index
        %get3A_116 = tpu.vector_load %arg17[%get3A_114, %get3A_115] {strides = array<i32>} : memref<128x128xf32, #tpu.memory_space<vmem>>, vector<1x16xf32>,
        %get3A_117 = vector.shape_cast %get3A_116 : vector<1x16xf32> to vector<16xf32>
        %mul3A_118 = arith.mulf %broadcast_in_dim3A_59, %get3A_117 : vector<16xf32>
        %add3A_119 = arith.addf %mul3A_113, %mul3A_118 : vector<16xf32>
        %get3A_120 = arith.index_cast %add3A_51 : i32 to index
        %get3A_121 = arith.constant 32 : index
        %get3A_122 = tpu.vector_load %arg18[%get3A_120, %get3A_121] {strides = array<i32>} : memref<128x128xf32, #tpu.memory_space<vmem>>, vector<1x16xf32>,
        %get3A_123 = vector.shape_cast %get3A_122 : vector<1x16xf32> to vector<16xf32>
        %mul3A_124 = arith.mulf %broadcast_in_dim3A_65, %get3A_123 : vector<16xf32>
        %add3A_125 = arith.addf %add3A_119, %mul3A_124 : vector<16xf32>
        %swap3A_126 = arith.index_cast %add3A_51 : i32 to index
        %swap3A_127 = arith.constant 32 : index
        %swap3A_128 = tpu.vector_load %arg19[%swap3A_126, %swap3A_127] {strides = array<i32>} : memref<128x128xf32, #tpu.memory_space<vmem>>, vector<1x16xf32>,
        %swap3A_129 = vector.shape_cast %swap3A_128 : vector<1x16xf32> to vector<16xf32>
        %swap3A_130 = vector.shape_cast %add3A_125 : vector<16xf32> to vector<1x16xf32>
        tpu.vector_store %arg19[%swap3A_126, %swap3A_127], %swap3A_130 {strides = array<i32>} : memref<128x128xf32, #tpu.memory_space<vmem>>, vector<1x16xf32>,
        %get3A_131 = arith.index_cast %add3A_51 : i32 to index
        %get3A_132 = arith.constant 48 : index
        %get3A_133 = tpu.vector_load %arg16[%get3A_131, %get3A_132] {strides = array<i32>} : memref<128x128xf32, #tpu.memory_space<vmem>>, vector<1x16xf32>,
        %get3A_134 = vector.shape_cast %get3A_133 : vector<1x16xf32> to vector<16xf32>
        %mul3A_135 = arith.mulf %broadcast_in_dim3A, %get3A_134 : vector<16xf32>
        %get3A_136 = arith.index_cast %add3A_51 : i32 to index
        %get3A_137 = arith.constant 48 : index
        %get3A_138 = tpu.vector_load %arg17[%get3A_136, %get3A_137] {strides = array<i32>} : memref<128x128xf32, #tpu.memory_space<vmem>>, vector<1x16xf32>,
        %get3A_139 = vector.shape_cast %get3A_138 : vector<1x16xf32> to vector<16xf32>
        %mul3A_140 = arith.mulf %broadcast_in_dim3A_59, %get3A_139 : vector<16xf32>
        %add3A_141 = arith.addf %mul3A_135, %mul3A_140 : vector<16xf32>
        %get3A_142 = arith.index_cast %add3A_51 : i32 to index
        %get3A_143 = arith.constant 48 : index
        %get3A_144 = tpu.vector_load %arg18[%get3A_142, %get3A_143] {strides = array<i32>} : memref<128x128xf32, #tpu.memory_space<vmem>>, vector<1x16xf32>,
        %get3A_145 = vector.shape_cast %get3A_144 : vector<1x16xf32> to vector<16xf32>
        %mul3A_146 = arith.mulf %broadcast_in_dim3A_65, %get3A_145 : vector<16xf32>
        %add3A_147 = arith.addf %add3A_141, %mul3A_146 : vector<16xf32>
        %swap3A_148 = arith.index_cast %add3A_51 : i32 to index
        %swap3A_149 = arith.constant 48 : index
        %swap3A_150 = tpu.vector_load %arg19[%swap3A_148, %swap3A_149] {strides = array<i32>} : memref<128x128xf32, #tpu.memory_space<vmem>>, vector<1x16xf32>,
        %swap3A_151 = vector.shape_cast %swap3A_150 : vector<1x16xf32> to vector<16xf32>
        %swap3A_152 = vector.shape_cast %add3A_147 : vector<16xf32> to vector<1x16xf32>
        tpu.vector_store %arg19[%swap3A_148, %swap3A_149], %swap3A_152 {strides = array<i32>} : memref<128x128xf32, #tpu.memory_space<vmem>>, vector<1x16xf32>,
        %mul3A_153 = arith.constant 4 : i32
        %mul3A_154 = arith.muli %scan3A_46, %mul3A_153 : i32
        %add3A_155 = arith.constant 1 : i32
        %add3A_156 = arith.addi %mul3A_154, %add3A_155 : i32
        %get3A_157 = arith.index_cast %add3A_156 : i32 to index
        %get3A_158 = tpu.vector_load %arg13[%get3A_157] {strides = array<i32>} : memref<144xf32, #tpu.memory_space<vmem>>, vector<16xf32>,
        %get3A_159 = vector.shape_cast %get3A_158 : vector<16xf32> to vector<16xf32>
        %slice3A_160 = vector.extract_strided_slice %get3A_159 {offsets = [0], sizes = [1], strides = [1]} : vector<16xf32> to vector<1xf32>
        %squeeze3A_161 = vector.extract %slice3A_160[0] : f32 from vector<1xf32>
        %broadcast_in_dim3A_162 = vector.broadcast %squeeze3A_161 : f32 to vector<16xf32>
        %get3A_163 = arith.index_cast %add3A_156 : i32 to index
        %get3A_164 = tpu.vector_load %arg14[%get3A_163] {strides = array<i32>} : memref<144xf32, #tpu.memory_space<vmem>>, vector<16xf32>,
        %get3A_165 = vector.shape_cast %get3A_164 : vector<16xf32> to vector<16xf32>
        %slice3A_166 = vector.extract_strided_slice %get3A_165 {offsets = [0], sizes = [1], strides = [1]} : vector<16xf32> to vector<1xf32>
        %squeeze3A_167 = vector.extract %slice3A_166[0] : f32 from vector<1xf32>
        %broadcast_in_dim3A_168 = vector.broadcast %squeeze3A_167 : f32 to vector<16xf32>
        %get3A_169 = arith.index_cast %add3A_156 : i32 to index
        %get3A_170 = tpu.vector_load %arg15[%get3A_169] {strides = array<i32>} : memref<144xf32, #tpu.memory_space<vmem>>, vector<16xf32>,
        %get3A_171 = vector.shape_cast %get3A_170 : vector<16xf32> to vector<16xf32>
        %slice3A_172 = vector.extract_strided_slice %get3A_171 {offsets = [0], sizes = [1], strides = [1]} : vector<16xf32> to vector<1xf32>
        %squeeze3A_173 = vector.extract %slice3A_172[0] : f32 from vector<1xf32>
        %broadcast_in_dim3A_174 = vector.broadcast %squeeze3A_173 : f32 to vector<16xf32>
        %get3A_175 = arith.index_cast %add3A_156 : i32 to index
        %get3A_176 = arith.constant 0 : index
        %get3A_177 = tpu.vector_load %arg16[%get3A_175, %get3A_176] {strides = array<i32>} : memref<128x128xf32, #tpu.memory_space<vmem>>, vector<1x16xf32>,
        %get3A_178 = vector.shape_cast %get3A_177 : vector<1x16xf32> to vector<16xf32>
        %mul3A_179 = arith.mulf %broadcast_in_dim3A_162, %get3A_178 : vector<16xf32>
        %get3A_180 = arith.index_cast %add3A_156 : i32 to index
        %get3A_181 = arith.constant 0 : index
        %get3A_182 = tpu.vector_load %arg17[%get3A_180, %get3A_181] {strides = array<i32>} : memref<128x128xf32, #tpu.memory_space<vmem>>, vector<1x16xf32>,
        %get3A_183 = vector.shape_cast %get3A_182 : vector<1x16xf32> to vector<16xf32>
        %mul3A_184 = arith.mulf %broadcast_in_dim3A_168, %get3A_183 : vector<16xf32>
        %add3A_185 = arith.addf %mul3A_179, %mul3A_184 : vector<16xf32>
        %get3A_186 = arith.index_cast %add3A_156 : i32 to index
        %get3A_187 = arith.constant 0 : index
        %get3A_188 = tpu.vector_load %arg18[%get3A_186, %get3A_187] {strides = array<i32>} : memref<128x128xf32, #tpu.memory_space<vmem>>, vector<1x16xf32>,
        %get3A_189 = vector.shape_cast %get3A_188 : vector<1x16xf32> to vector<16xf32>
        %mul3A_190 = arith.mulf %broadcast_in_dim3A_174, %get3A_189 : vector<16xf32>
        %add3A_191 = arith.addf %add3A_185, %mul3A_190 : vector<16xf32>
        %swap3A_192 = arith.index_cast %add3A_156 : i32 to index
        %swap3A_193 = arith.constant 0 : index
        %swap3A_194 = tpu.vector_load %arg19[%swap3A_192, %swap3A_193] {strides = array<i32>} : memref<128x128xf32, #tpu.memory_space<vmem>>, vector<1x16xf32>,
        %swap3A_195 = vector.shape_cast %swap3A_194 : vector<1x16xf32> to vector<16xf32>
        %swap3A_196 = vector.shape_cast %add3A_191 : vector<16xf32> to vector<1x16xf32>
        tpu.vector_store %arg19[%swap3A_192, %swap3A_193], %swap3A_196 {strides = array<i32>} : memref<128x128xf32, #tpu.memory_space<vmem>>, vector<1x16xf32>,
        %get3A_197 = arith.index_cast %add3A_156 : i32 to index
        %get3A_198 = arith.constant 16 : index
        %get3A_199 = tpu.vector_load %arg16[%get3A_197, %get3A_198] {strides = array<i32>} : memref<128x128xf32, #tpu.memory_space<vmem>>, vector<1x16xf32>,
        %get3A_200 = vector.shape_cast %get3A_199 : vector<1x16xf32> to vector<16xf32>
        %mul3A_201 = arith.mulf %broadcast_in_dim3A_162, %get3A_200 : vector<16xf32>
        %get3A_202 = arith.index_cast %add3A_156 : i32 to index
        %get3A_203 = arith.constant 16 : index
        %get3A_204 = tpu.vector_load %arg17[%get3A_202, %get3A_203] {strides = array<i32>} : memref<128x128xf32, #tpu.memory_space<vmem>>, vector<1x16xf32>,
        %get3A_205 = vector.shape_cast %get3A_204 : vector<1x16xf32> to vector<16xf32>
        %mul3A_206 = arith.mulf %broadcast_in_dim3A_168, %get3A_205 : vector<16xf32>
        %add3A_207 = arith.addf %mul3A_201, %mul3A_206 : vector<16xf32>
        %get3A_208 = arith.index_cast %add3A_156 : i32 to index
        %get3A_209 = arith.constant 16 : index
        %get3A_210 = tpu.vector_load %arg18[%get3A_208, %get3A_209] {strides = array<i32>} : memref<128x128xf32, #tpu.memory_space<vmem>>, vector<1x16xf32>,
        %get3A_211 = vector.shape_cast %get3A_210 : vector<1x16xf32> to vector<16xf32>
        %mul3A_212 = arith.mulf %broadcast_in_dim3A_174, %get3A_211 : vector<16xf32>
        %add3A_213 = arith.addf %add3A_207, %mul3A_212 : vector<16xf32>
        %swap3A_214 = arith.index_cast %add3A_156 : i32 to index
        %swap3A_215 = arith.constant 16 : index
        %swap3A_216 = tpu.vector_load %arg19[%swap3A_214, %swap3A_215] {strides = array<i32>} : memref<128x128xf32, #tpu.memory_space<vmem>>, vector<1x16xf32>,
        %swap3A_217 = vector.shape_cast %swap3A_216 : vector<1x16xf32> to vector<16xf32>
        %swap3A_218 = vector.shape_cast %add3A_213 : vector<16xf32> to vector<1x16xf32>
        tpu.vector_store %arg19[%swap3A_214, %swap3A_215], %swap3A_218 {strides = array<i32>} : memref<128x128xf32, #tpu.memory_space<vmem>>, vector<1x16xf32>,
        %get3A_219 = arith.index_cast %add3A_156 : i32 to index
        %get3A_220 = arith.constant 32 : index
        %get3A_221 = tpu.vector_load %arg16[%get3A_219, %get3A_220] {strides = array<i32>} : memref<128x128xf32, #tpu.memory_space<vmem>>, vector<1x16xf32>,
        %get3A_222 = vector.shape_cast %get3A_221 : vector<1x16xf32> to vector<16xf32>
        %mul3A_223 = arith.mulf %broadcast_in_dim3A_162, %get3A_222 : vector<16xf32>
        %get3A_224 = arith.index_cast %add3A_156 : i32 to index
        %get3A_225 = arith.constant 32 : index
        %get3A_226 = tpu.vector_load %arg17[%get3A_224, %get3A_225] {strides = array<i32>} : memref<128x128xf32, #tpu.memory_space<vmem>>, vector<1x16xf32>,
        %get3A_227 = vector.shape_cast %get3A_226 : vector<1x16xf32> to vector<16xf32>
        %mul3A_228 = arith.mulf %broadcast_in_dim3A_168, %get3A_227 : vector<16xf32>
        %add3A_229 = arith.addf %mul3A_223, %mul3A_228 : vector<16xf32>
        %get3A_230 = arith.index_cast %add3A_156 : i32 to index
        %get3A_231 = arith.constant 32 : index
        %get3A_232 = tpu.vector_load %arg18[%get3A_230, %get3A_231] {strides = array<i32>} : memref<128x128xf32, #tpu.memory_space<vmem>>, vector<1x16xf32>,
        %get3A_233 = vector.shape_cast %get3A_232 : vector<1x16xf32> to vector<16xf32>
        %mul3A_234 = arith.mulf %broadcast_in_dim3A_174, %get3A_233 : vector<16xf32>
        %add3A_235 = arith.addf %add3A_229, %mul3A_234 : vector<16xf32>
        %swap3A_236 = arith.index_cast %add3A_156 : i32 to index
        %swap3A_237 = arith.constant 32 : index
        %swap3A_238 = tpu.vector_load %arg19[%swap3A_236, %swap3A_237] {strides = array<i32>} : memref<128x128xf32, #tpu.memory_space<vmem>>, vector<1x16xf32>,
        %swap3A_239 = vector.shape_cast %swap3A_238 : vector<1x16xf32> to vector<16xf32>
        %swap3A_240 = vector.shape_cast %add3A_235 : vector<16xf32> to vector<1x16xf32>
        tpu.vector_store %arg19[%swap3A_236, %swap3A_237], %swap3A_240 {strides = array<i32>} : memref<128x128xf32, #tpu.memory_space<vmem>>, vector<1x16xf32>,
        %get3A_241 = arith.index_cast %add3A_156 : i32 to index
        %get3A_242 = arith.constant 48 : index
        %get3A_243 = tpu.vector_load %arg16[%get3A_241, %get3A_242] {strides = array<i32>} : memref<128x128xf32, #tpu.memory_space<vmem>>, vector<1x16xf32>,
        %get3A_244 = vector.shape_cast %get3A_243 : vector<1x16xf32> to vector<16xf32>
        %mul3A_245 = arith.mulf %broadcast_in_dim3A_162, %get3A_244 : vector<16xf32>
        %get3A_246 = arith.index_cast %add3A_156 : i32 to index
        %get3A_247 = arith.constant 48 : index
        %get3A_248 = tpu.vector_load %arg17[%get3A_246, %get3A_247] {strides = array<i32>} : memref<128x128xf32, #tpu.memory_space<vmem>>, vector<1x16xf32>,
        %get3A_249 = vector.shape_cast %get3A_248 : vector<1x16xf32> to vector<16xf32>
        %mul3A_250 = arith.mulf %broadcast_in_dim3A_168, %get3A_249 : vector<16xf32>
        %add3A_251 = arith.addf %mul3A_245, %mul3A_250 : vector<16xf32>
        %get3A_252 = arith.index_cast %add3A_156 : i32 to index
        %get3A_253 = arith.constant 48 : index
        %get3A_254 = tpu.vector_load %arg18[%get3A_252, %get3A_253] {strides = array<i32>} : memref<128x128xf32, #tpu.memory_space<vmem>>, vector<1x16xf32>,
        %get3A_255 = vector.shape_cast %get3A_254 : vector<1x16xf32> to vector<16xf32>
        %mul3A_256 = arith.mulf %broadcast_in_dim3A_174, %get3A_255 : vector<16xf32>
        %add3A_257 = arith.addf %add3A_251, %mul3A_256 : vector<16xf32>
        %swap3A_258 = arith.index_cast %add3A_156 : i32 to index
        %swap3A_259 = arith.constant 48 : index
        %swap3A_260 = tpu.vector_load %arg19[%swap3A_258, %swap3A_259] {strides = array<i32>} : memref<128x128xf32, #tpu.memory_space<vmem>>, vector<1x16xf32>,
        %swap3A_261 = vector.shape_cast %swap3A_260 : vector<1x16xf32> to vector<16xf32>
        %swap3A_262 = vector.shape_cast %add3A_257 : vector<16xf32> to vector<1x16xf32>
        tpu.vector_store %arg19[%swap3A_258, %swap3A_259], %swap3A_262 {strides = array<i32>} : memref<128x128xf32, #tpu.memory_space<vmem>>, vector<1x16xf32>,
        %mul3A_263 = arith.constant 4 : i32
        %mul3A_264 = arith.muli %scan3A_46, %mul3A_263 : i32
        %add3A_265 = arith.constant 2 : i32
        %add3A_266 = arith.addi %mul3A_264, %add3A_265 : i32
        %get3A_267 = arith.index_cast %add3A_266 : i32 to index
        %get3A_268 = tpu.vector_load %arg13[%get3A_267] {strides = array<i32>} : memref<144xf32, #tpu.memory_space<vmem>>, vector<16xf32>,
        %get3A_269 = vector.shape_cast %get3A_268 : vector<16xf32> to vector<16xf32>
        %slice3A_270 = vector.extract_strided_slice %get3A_269 {offsets = [0], sizes = [1], strides = [1]} : vector<16xf32> to vector<1xf32>
        %squeeze3A_271 = vector.extract %slice3A_270[0] : f32 from vector<1xf32>
        %broadcast_in_dim3A_272 = vector.broadcast %squeeze3A_271 : f32 to vector<16xf32>
        %get3A_273 = arith.index_cast %add3A_266 : i32 to index
        %get3A_274 = tpu.vector_load %arg14[%get3A_273] {strides = array<i32>} : memref<144xf32, #tpu.memory_space<vmem>>, vector<16xf32>,
        %get3A_275 = vector.shape_cast %get3A_274 : vector<16xf32> to vector<16xf32>
        %slice3A_276 = vector.extract_strided_slice %get3A_275 {offsets = [0], sizes = [1], strides = [1]} : vector<16xf32> to vector<1xf32>
        %squeeze3A_277 = vector.extract %slice3A_276[0] : f32 from vector<1xf32>
        %broadcast_in_dim3A_278 = vector.broadcast %squeeze3A_277 : f32 to vector<16xf32>
        %get3A_279 = arith.index_cast %add3A_266 : i32 to index
        %get3A_280 = tpu.vector_load %arg15[%get3A_279] {strides = array<i32>} : memref<144xf32, #tpu.memory_space<vmem>>, vector<16xf32>,
        %get3A_281 = vector.shape_cast %get3A_280 : vector<16xf32> to vector<16xf32>
        %slice3A_282 = vector.extract_strided_slice %get3A_281 {offsets = [0], sizes = [1], strides = [1]} : vector<16xf32> to vector<1xf32>
        %squeeze3A_283 = vector.extract %slice3A_282[0] : f32 from vector<1xf32>
        %broadcast_in_dim3A_284 = vector.broadcast %squeeze3A_283 : f32 to vector<16xf32>
        %get3A_285 = arith.index_cast %add3A_266 : i32 to index
        %get3A_286 = arith.constant 0 : index
        %get3A_287 = tpu.vector_load %arg16[%get3A_285, %get3A_286] {strides = array<i32>} : memref<128x128xf32, #tpu.memory_space<vmem>>, vector<1x16xf32>,
        %get3A_288 = vector.shape_cast %get3A_287 : vector<1x16xf32> to vector<16xf32>
        %mul3A_289 = arith.mulf %broadcast_in_dim3A_272, %get3A_288 : vector<16xf32>
        %get3A_290 = arith.index_cast %add3A_266 : i32 to index
        %get3A_291 = arith.constant 0 : index
        %get3A_292 = tpu.vector_load %arg17[%get3A_290, %get3A_291] {strides = array<i32>} : memref<128x128xf32, #tpu.memory_space<vmem>>, vector<1x16xf32>,
        %get3A_293 = vector.shape_cast %get3A_292 : vector<1x16xf32> to vector<16xf32>
        %mul3A_294 = arith.mulf %broadcast_in_dim3A_278, %get3A_293 : vector<16xf32>
        %add3A_295 = arith.addf %mul3A_289, %mul3A_294 : vector<16xf32>
        %get3A_296 = arith.index_cast %add3A_266 : i32 to index
        %get3A_297 = arith.constant 0 : index
        %get3A_298 = tpu.vector_load %arg18[%get3A_296, %get3A_297] {strides = array<i32>} : memref<128x128xf32, #tpu.memory_space<vmem>>, vector<1x16xf32>,
        %get3A_299 = vector.shape_cast %get3A_298 : vector<1x16xf32> to vector<16xf32>
        %mul3A_300 = arith.mulf %broadcast_in_dim3A_284, %get3A_299 : vector<16xf32>
        %add3A_301 = arith.addf %add3A_295, %mul3A_300 : vector<16xf32>
        %swap3A_302 = arith.index_cast %add3A_266 : i32 to index
        %swap3A_303 = arith.constant 0 : index
        %swap3A_304 = tpu.vector_load %arg19[%swap3A_302, %swap3A_303] {strides = array<i32>} : memref<128x128xf32, #tpu.memory_space<vmem>>, vector<1x16xf32>,
        %swap3A_305 = vector.shape_cast %swap3A_304 : vector<1x16xf32> to vector<16xf32>
        %swap3A_306 = vector.shape_cast %add3A_301 : vector<16xf32> to vector<1x16xf32>
        tpu.vector_store %arg19[%swap3A_302, %swap3A_303], %swap3A_306 {strides = array<i32>} : memref<128x128xf32, #tpu.memory_space<vmem>>, vector<1x16xf32>,
        %get3A_307 = arith.index_cast %add3A_266 : i32 to index
        %get3A_308 = arith.constant 16 : index
        %get3A_309 = tpu.vector_load %arg16[%get3A_307, %get3A_308] {strides = array<i32>} : memref<128x128xf32, #tpu.memory_space<vmem>>, vector<1x16xf32>,
        %get3A_310 = vector.shape_cast %get3A_309 : vector<1x16xf32> to vector<16xf32>
        %mul3A_311 = arith.mulf %broadcast_in_dim3A_272, %get3A_310 : vector<16xf32>
        %get3A_312 = arith.index_cast %add3A_266 : i32 to index
        %get3A_313 = arith.constant 16 : index
        %get3A_314 = tpu.vector_load %arg17[%get3A_312, %get3A_313] {strides = array<i32>} : memref<128x128xf32, #tpu.memory_space<vmem>>, vector<1x16xf32>,
        %get3A_315 = vector.shape_cast %get3A_314 : vector<1x16xf32> to vector<16xf32>
        %mul3A_316 = arith.mulf %broadcast_in_dim3A_278, %get3A_315 : vector<16xf32>
        %add3A_317 = arith.addf %mul3A_311, %mul3A_316 : vector<16xf32>
        %get3A_318 = arith.index_cast %add3A_266 : i32 to index
        %get3A_319 = arith.constant 16 : index
        %get3A_320 = tpu.vector_load %arg18[%get3A_318, %get3A_319] {strides = array<i32>} : memref<128x128xf32, #tpu.memory_space<vmem>>, vector<1x16xf32>,
        %get3A_321 = vector.shape_cast %get3A_320 : vector<1x16xf32> to vector<16xf32>
        %mul3A_322 = arith.mulf %broadcast_in_dim3A_284, %get3A_321 : vector<16xf32>
        %add3A_323 = arith.addf %add3A_317, %mul3A_322 : vector<16xf32>
        %swap3A_324 = arith.index_cast %add3A_266 : i32 to index
        %swap3A_325 = arith.constant 16 : index
        %swap3A_326 = tpu.vector_load %arg19[%swap3A_324, %swap3A_325] {strides = array<i32>} : memref<128x128xf32, #tpu.memory_space<vmem>>, vector<1x16xf32>,
        %swap3A_327 = vector.shape_cast %swap3A_326 : vector<1x16xf32> to vector<16xf32>
        %swap3A_328 = vector.shape_cast %add3A_323 : vector<16xf32> to vector<1x16xf32>
        tpu.vector_store %arg19[%swap3A_324, %swap3A_325], %swap3A_328 {strides = array<i32>} : memref<128x128xf32, #tpu.memory_space<vmem>>, vector<1x16xf32>,
        %get3A_329 = arith.index_cast %add3A_266 : i32 to index
        %get3A_330 = arith.constant 32 : index
        %get3A_331 = tpu.vector_load %arg16[%get3A_329, %get3A_330] {strides = array<i32>} : memref<128x128xf32, #tpu.memory_space<vmem>>, vector<1x16xf32>,
        %get3A_332 = vector.shape_cast %get3A_331 : vector<1x16xf32> to vector<16xf32>
        %mul3A_333 = arith.mulf %broadcast_in_dim3A_272, %get3A_332 : vector<16xf32>
        %get3A_334 = arith.index_cast %add3A_266 : i32 to index
        %get3A_335 = arith.constant 32 : index
        %get3A_336 = tpu.vector_load %arg17[%get3A_334, %get3A_335] {strides = array<i32>} : memref<128x128xf32, #tpu.memory_space<vmem>>, vector<1x16xf32>,
        %get3A_337 = vector.shape_cast %get3A_336 : vector<1x16xf32> to vector<16xf32>
        %mul3A_338 = arith.mulf %broadcast_in_dim3A_278, %get3A_337 : vector<16xf32>
        %add3A_339 = arith.addf %mul3A_333, %mul3A_338 : vector<16xf32>
        %get3A_340 = arith.index_cast %add3A_266 : i32 to index
        %get3A_341 = arith.constant 32 : index
        %get3A_342 = tpu.vector_load %arg18[%get3A_340, %get3A_341] {strides = array<i32>} : memref<128x128xf32, #tpu.memory_space<vmem>>, vector<1x16xf32>,
        %get3A_343 = vector.shape_cast %get3A_342 : vector<1x16xf32> to vector<16xf32>
        %mul3A_344 = arith.mulf %broadcast_in_dim3A_284, %get3A_343 : vector<16xf32>
        %add3A_345 = arith.addf %add3A_339, %mul3A_344 : vector<16xf32>
        %swap3A_346 = arith.index_cast %add3A_266 : i32 to index
        %swap3A_347 = arith.constant 32 : index
        %swap3A_348 = tpu.vector_load %arg19[%swap3A_346, %swap3A_347] {strides = array<i32>} : memref<128x128xf32, #tpu.memory_space<vmem>>, vector<1x16xf32>,
        %swap3A_349 = vector.shape_cast %swap3A_348 : vector<1x16xf32> to vector<16xf32>
        %swap3A_350 = vector.shape_cast %add3A_345 : vector<16xf32> to vector<1x16xf32>
        tpu.vector_store %arg19[%swap3A_346, %swap3A_347], %swap3A_350 {strides = array<i32>} : memref<128x128xf32, #tpu.memory_space<vmem>>, vector<1x16xf32>,
        %get3A_351 = arith.index_cast %add3A_266 : i32 to index
        %get3A_352 = arith.constant 48 : index
        %get3A_353 = tpu.vector_load %arg16[%get3A_351, %get3A_352] {strides = array<i32>} : memref<128x128xf32, #tpu.memory_space<vmem>>, vector<1x16xf32>,
        %get3A_354 = vector.shape_cast %get3A_353 : vector<1x16xf32> to vector<16xf32>
        %mul3A_355 = arith.mulf %broadcast_in_dim3A_272, %get3A_354 : vector<16xf32>
        %get3A_356 = arith.index_cast %add3A_266 : i32 to index
        %get3A_357 = arith.constant 48 : index
        %get3A_358 = tpu.vector_load %arg17[%get3A_356, %get3A_357] {strides = array<i32>} : memref<128x128xf32, #tpu.memory_space<vmem>>, vector<1x16xf32>,
        %get3A_359 = vector.shape_cast %get3A_358 : vector<1x16xf32> to vector<16xf32>
        %mul3A_360 = arith.mulf %broadcast_in_dim3A_278, %get3A_359 : vector<16xf32>
        %add3A_361 = arith.addf %mul3A_355, %mul3A_360 : vector<16xf32>
        %get3A_362 = arith.index_cast %add3A_266 : i32 to index
        %get3A_363 = arith.constant 48 : index
        %get3A_364 = tpu.vector_load %arg18[%get3A_362, %get3A_363] {strides = array<i32>} : memref<128x128xf32, #tpu.memory_space<vmem>>, vector<1x16xf32>,
        %get3A_365 = vector.shape_cast %get3A_364 : vector<1x16xf32> to vector<16xf32>
        %mul3A_366 = arith.mulf %broadcast_in_dim3A_284, %get3A_365 : vector<16xf32>
        %add3A_367 = arith.addf %add3A_361, %mul3A_366 : vector<16xf32>
        %swap3A_368 = arith.index_cast %add3A_266 : i32 to index
        %swap3A_369 = arith.constant 48 : index
        %swap3A_370 = tpu.vector_load %arg19[%swap3A_368, %swap3A_369] {strides = array<i32>} : memref<128x128xf32, #tpu.memory_space<vmem>>, vector<1x16xf32>,
        %swap3A_371 = vector.shape_cast %swap3A_370 : vector<1x16xf32> to vector<16xf32>
        %swap3A_372 = vector.shape_cast %add3A_367 : vector<16xf32> to vector<1x16xf32>
        tpu.vector_store %arg19[%swap3A_368, %swap3A_369], %swap3A_372 {strides = array<i32>} : memref<128x128xf32, #tpu.memory_space<vmem>>, vector<1x16xf32>,
        %mul3A_373 = arith.constant 4 : i32
        %mul3A_374 = arith.muli %scan3A_46, %mul3A_373 : i32
        %add3A_375 = arith.constant 3 : i32
        %add3A_376 = arith.addi %mul3A_374, %add3A_375 : i32
        %get3A_377 = arith.index_cast %add3A_376 : i32 to index
        %get3A_378 = tpu.vector_load %arg13[%get3A_377] {strides = array<i32>} : memref<144xf32, #tpu.memory_space<vmem>>, vector<16xf32>,
        %get3A_379 = vector.shape_cast %get3A_378 : vector<16xf32> to vector<16xf32>
        %slice3A_380 = vector.extract_strided_slice %get3A_379 {offsets = [0], sizes = [1], strides = [1]} : vector<16xf32> to vector<1xf32>
        %squeeze3A_381 = vector.extract %slice3A_380[0] : f32 from vector<1xf32>
        %broadcast_in_dim3A_382 = vector.broadcast %squeeze3A_381 : f32 to vector<16xf32>
        %get3A_383 = arith.index_cast %add3A_376 : i32 to index
        %get3A_384 = tpu.vector_load %arg14[%get3A_383] {strides = array<i32>} : memref<144xf32, #tpu.memory_space<vmem>>, vector<16xf32>,
        %get3A_385 = vector.shape_cast %get3A_384 : vector<16xf32> to vector<16xf32>
        %slice3A_386 = vector.extract_strided_slice %get3A_385 {offsets = [0], sizes = [1], strides = [1]} : vector<16xf32> to vector<1xf32>
        %squeeze3A_387 = vector.extract %slice3A_386[0] : f32 from vector<1xf32>
        %broadcast_in_dim3A_388 = vector.broadcast %squeeze3A_387 : f32 to vector<16xf32>
        %get3A_389 = arith.index_cast %add3A_376 : i32 to index
        %get3A_390 = tpu.vector_load %arg15[%get3A_389] {strides = array<i32>} : memref<144xf32, #tpu.memory_space<vmem>>, vector<16xf32>,
        %get3A_391 = vector.shape_cast %get3A_390 : vector<16xf32> to vector<16xf32>
        %slice3A_392 = vector.extract_strided_slice %get3A_391 {offsets = [0], sizes = [1], strides = [1]} : vector<16xf32> to vector<1xf32>
        %squeeze3A_393 = vector.extract %slice3A_392[0] : f32 from vector<1xf32>
        %broadcast_in_dim3A_394 = vector.broadcast %squeeze3A_393 : f32 to vector<16xf32>
        %get3A_395 = arith.index_cast %add3A_376 : i32 to index
        %get3A_396 = arith.constant 0 : index
        %get3A_397 = tpu.vector_load %arg16[%get3A_395, %get3A_396] {strides = array<i32>} : memref<128x128xf32, #tpu.memory_space<vmem>>, vector<1x16xf32>,
        %get3A_398 = vector.shape_cast %get3A_397 : vector<1x16xf32> to vector<16xf32>
        %mul3A_399 = arith.mulf %broadcast_in_dim3A_382, %get3A_398 : vector<16xf32>
        %get3A_400 = arith.index_cast %add3A_376 : i32 to index
        %get3A_401 = arith.constant 0 : index
        %get3A_402 = tpu.vector_load %arg17[%get3A_400, %get3A_401] {strides = array<i32>} : memref<128x128xf32, #tpu.memory_space<vmem>>, vector<1x16xf32>,
        %get3A_403 = vector.shape_cast %get3A_402 : vector<1x16xf32> to vector<16xf32>
        %mul3A_404 = arith.mulf %broadcast_in_dim3A_388, %get3A_403 : vector<16xf32>
        %add3A_405 = arith.addf %mul3A_399, %mul3A_404 : vector<16xf32>
        %get3A_406 = arith.index_cast %add3A_376 : i32 to index
        %get3A_407 = arith.constant 0 : index
        %get3A_408 = tpu.vector_load %arg18[%get3A_406, %get3A_407] {strides = array<i32>} : memref<128x128xf32, #tpu.memory_space<vmem>>, vector<1x16xf32>,
        %get3A_409 = vector.shape_cast %get3A_408 : vector<1x16xf32> to vector<16xf32>
        %mul3A_410 = arith.mulf %broadcast_in_dim3A_394, %get3A_409 : vector<16xf32>
        %add3A_411 = arith.addf %add3A_405, %mul3A_410 : vector<16xf32>
        %swap3A_412 = arith.index_cast %add3A_376 : i32 to index
        %swap3A_413 = arith.constant 0 : index
        %swap3A_414 = tpu.vector_load %arg19[%swap3A_412, %swap3A_413] {strides = array<i32>} : memref<128x128xf32, #tpu.memory_space<vmem>>, vector<1x16xf32>,
        %swap3A_415 = vector.shape_cast %swap3A_414 : vector<1x16xf32> to vector<16xf32>
        %swap3A_416 = vector.shape_cast %add3A_411 : vector<16xf32> to vector<1x16xf32>
        tpu.vector_store %arg19[%swap3A_412, %swap3A_413], %swap3A_416 {strides = array<i32>} : memref<128x128xf32, #tpu.memory_space<vmem>>, vector<1x16xf32>,
        %get3A_417 = arith.index_cast %add3A_376 : i32 to index
        %get3A_418 = arith.constant 16 : index
        %get3A_419 = tpu.vector_load %arg16[%get3A_417, %get3A_418] {strides = array<i32>} : memref<128x128xf32, #tpu.memory_space<vmem>>, vector<1x16xf32>,
        %get3A_420 = vector.shape_cast %get3A_419 : vector<1x16xf32> to vector<16xf32>
        %mul3A_421 = arith.mulf %broadcast_in_dim3A_382, %get3A_420 : vector<16xf32>
        %get3A_422 = arith.index_cast %add3A_376 : i32 to index
        %get3A_423 = arith.constant 16 : index
        %get3A_424 = tpu.vector_load %arg17[%get3A_422, %get3A_423] {strides = array<i32>} : memref<128x128xf32, #tpu.memory_space<vmem>>, vector<1x16xf32>,
        %get3A_425 = vector.shape_cast %get3A_424 : vector<1x16xf32> to vector<16xf32>
        %mul3A_426 = arith.mulf %broadcast_in_dim3A_388, %get3A_425 : vector<16xf32>
        %add3A_427 = arith.addf %mul3A_421, %mul3A_426 : vector<16xf32>
        %get3A_428 = arith.index_cast %add3A_376 : i32 to index
        %get3A_429 = arith.constant 16 : index
        %get3A_430 = tpu.vector_load %arg18[%get3A_428, %get3A_429] {strides = array<i32>} : memref<128x128xf32, #tpu.memory_space<vmem>>, vector<1x16xf32>,
        %get3A_431 = vector.shape_cast %get3A_430 : vector<1x16xf32> to vector<16xf32>
        %mul3A_432 = arith.mulf %broadcast_in_dim3A_394, %get3A_431 : vector<16xf32>
        %add3A_433 = arith.addf %add3A_427, %mul3A_432 : vector<16xf32>
        %swap3A_434 = arith.index_cast %add3A_376 : i32 to index
        %swap3A_435 = arith.constant 16 : index
        %swap3A_436 = tpu.vector_load %arg19[%swap3A_434, %swap3A_435] {strides = array<i32>} : memref<128x128xf32, #tpu.memory_space<vmem>>, vector<1x16xf32>,
        %swap3A_437 = vector.shape_cast %swap3A_436 : vector<1x16xf32> to vector<16xf32>
        %swap3A_438 = vector.shape_cast %add3A_433 : vector<16xf32> to vector<1x16xf32>
        tpu.vector_store %arg19[%swap3A_434, %swap3A_435], %swap3A_438 {strides = array<i32>} : memref<128x128xf32, #tpu.memory_space<vmem>>, vector<1x16xf32>,
        %get3A_439 = arith.index_cast %add3A_376 : i32 to index
        %get3A_440 = arith.constant 32 : index
        %get3A_441 = tpu.vector_load %arg16[%get3A_439, %get3A_440] {strides = array<i32>} : memref<128x128xf32, #tpu.memory_space<vmem>>, vector<1x16xf32>,
        %get3A_442 = vector.shape_cast %get3A_441 : vector<1x16xf32> to vector<16xf32>
        %mul3A_443 = arith.mulf %broadcast_in_dim3A_382, %get3A_442 : vector<16xf32>
        %get3A_444 = arith.index_cast %add3A_376 : i32 to index
        %get3A_445 = arith.constant 32 : index
        %get3A_446 = tpu.vector_load %arg17[%get3A_444, %get3A_445] {strides = array<i32>} : memref<128x128xf32, #tpu.memory_space<vmem>>, vector<1x16xf32>,
        %get3A_447 = vector.shape_cast %get3A_446 : vector<1x16xf32> to vector<16xf32>
        %mul3A_448 = arith.mulf %broadcast_in_dim3A_388, %get3A_447 : vector<16xf32>
        %add3A_449 = arith.addf %mul3A_443, %mul3A_448 : vector<16xf32>
        %get3A_450 = arith.index_cast %add3A_376 : i32 to index
        %get3A_451 = arith.constant 32 : index
        %get3A_452 = tpu.vector_load %arg18[%get3A_450, %get3A_451] {strides = array<i32>} : memref<128x128xf32, #tpu.memory_space<vmem>>, vector<1x16xf32>,
        %get3A_453 = vector.shape_cast %get3A_452 : vector<1x16xf32> to vector<16xf32>
        %mul3A_454 = arith.mulf %broadcast_in_dim3A_394, %get3A_453 : vector<16xf32>
        %add3A_455 = arith.addf %add3A_449, %mul3A_454 : vector<16xf32>
        %swap3A_456 = arith.index_cast %add3A_376 : i32 to index
        %swap3A_457 = arith.constant 32 : index
        %swap3A_458 = tpu.vector_load %arg19[%swap3A_456, %swap3A_457] {strides = array<i32>} : memref<128x128xf32, #tpu.memory_space<vmem>>, vector<1x16xf32>,
        %swap3A_459 = vector.shape_cast %swap3A_458 : vector<1x16xf32> to vector<16xf32>
        %swap3A_460 = vector.shape_cast %add3A_455 : vector<16xf32> to vector<1x16xf32>
        tpu.vector_store %arg19[%swap3A_456, %swap3A_457], %swap3A_460 {strides = array<i32>} : memref<128x128xf32, #tpu.memory_space<vmem>>, vector<1x16xf32>,
        %get3A_461 = arith.index_cast %add3A_376 : i32 to index
        %get3A_462 = arith.constant 48 : index
        %get3A_463 = tpu.vector_load %arg16[%get3A_461, %get3A_462] {strides = array<i32>} : memref<128x128xf32, #tpu.memory_space<vmem>>, vector<1x16xf32>,
        %get3A_464 = vector.shape_cast %get3A_463 : vector<1x16xf32> to vector<16xf32>
        %mul3A_465 = arith.mulf %broadcast_in_dim3A_382, %get3A_464 : vector<16xf32>
        %get3A_466 = arith.index_cast %add3A_376 : i32 to index
        %get3A_467 = arith.constant 48 : index
        %get3A_468 = tpu.vector_load %arg17[%get3A_466, %get3A_467] {strides = array<i32>} : memref<128x128xf32, #tpu.memory_space<vmem>>, vector<1x16xf32>,
        %get3A_469 = vector.shape_cast %get3A_468 : vector<1x16xf32> to vector<16xf32>
        %mul3A_470 = arith.mulf %broadcast_in_dim3A_388, %get3A_469 : vector<16xf32>
        %add3A_471 = arith.addf %mul3A_465, %mul3A_470 : vector<16xf32>
        %get3A_472 = arith.index_cast %add3A_376 : i32 to index
        %get3A_473 = arith.constant 48 : index
        %get3A_474 = tpu.vector_load %arg18[%get3A_472, %get3A_473] {strides = array<i32>} : memref<128x128xf32, #tpu.memory_space<vmem>>, vector<1x16xf32>,
        %get3A_475 = vector.shape_cast %get3A_474 : vector<1x16xf32> to vector<16xf32>
        %mul3A_476 = arith.mulf %broadcast_in_dim3A_394, %get3A_475 : vector<16xf32>
        %add3A_477 = arith.addf %add3A_471, %mul3A_476 : vector<16xf32>
        %swap3A_478 = arith.index_cast %add3A_376 : i32 to index
        %swap3A_479 = arith.constant 48 : index
        %swap3A_480 = tpu.vector_load %arg19[%swap3A_478, %swap3A_479] {strides = array<i32>} : memref<128x128xf32, #tpu.memory_space<vmem>>, vector<1x16xf32>,
        %swap3A_481 = vector.shape_cast %swap3A_480 : vector<1x16xf32> to vector<16xf32>
        %swap3A_482 = vector.shape_cast %add3A_477 : vector<16xf32> to vector<1x16xf32>
        tpu.vector_store %arg19[%swap3A_478, %swap3A_479], %swap3A_482 {strides = array<i32>} : memref<128x128xf32, #tpu.memory_space<vmem>>, vector<1x16xf32>,
        %scan3A_483 = arith.constant 0 : i32
        scf.yield %scan3A_483 : i32
      }
      %scan3A_36 = arith.constant 32 : i32
      %dma_start3A_37 = arith.constant 0 : i32
      %dma_start3A_38 = tpu.memref_slice %arg9[%add3A_13, %dma_start3A_37] : memref<32768x128xf32, #tpu.memory_space<hbm>> -> memref<128x128xf32, #tpu.memory_space<hbm>>
      %dma_start3A_39 = arith.constant 0 : i32
      %dma_start3A_40 = tpu.memref_slice %arg9[%add3A_13, %dma_start3A_39] : memref<32768x128xf32, #tpu.memory_space<hbm>> -> memref<128x128xf32, #tpu.memory_space<hbm>>
      tpu.enqueue_dma source(%arg19 : memref<128x128xf32, #tpu.memory_space<vmem>>) target(%dma_start3A_40 : memref<128x128xf32, #tpu.memory_space<hbm>>) target_semaphore(%arg23 : memref<!tpu.dma_semaphore, #tpu.memory_space<semaphore_mem>>)
      %dma_wait3A_41 = arith.constant 0 : i32
      %dma_wait3A_42 = tpu.memref_slice %arg9[%add3A_13, %dma_wait3A_41] : memref<32768x128xf32, #tpu.memory_space<hbm>> -> memref<128x128xf32, #tpu.memory_space<hbm>>
      %dma_wait3A_43 = arith.constant 0 : i32
      %dma_wait3A_44 = tpu.memref_slice %arg9[%add3A_13, %dma_wait3A_43] : memref<32768x128xf32, #tpu.memory_space<hbm>> -> memref<128x128xf32, #tpu.memory_space<hbm>>
      tpu.wait_dma2 semaphore(%arg23 : memref<!tpu.dma_semaphore, #tpu.memory_space<semaphore_mem>>) src(%arg19 : memref<128x128xf32, #tpu.memory_space<vmem>>) dst(%dma_wait3A_44 : memref<128x128xf32, #tpu.memory_space<hbm>>)
      %scan3A_45 = arith.constant 0 : i32
      scf.yield %scan3A_45 : i32
    }
    %scan3A_8 = arith.constant 8 : i32
    return
  }
}

module attributes {stable_mosaic.version = 14 : i64} {
  func.func @_nn_body(%arg0: i32, %arg1: memref<3x4096xf32, #tpu.memory_space<vmem>>, %arg2: memref<2048x3xf32, #tpu.memory_space<vmem>>, %arg3: memref<4096xi32, #tpu.memory_space<vmem>>, %arg4: memref<4096xi32, #tpu.memory_space<vmem>>, %arg5: memref<4096xi32, #tpu.memory_space<vmem>>, %arg6: memref<4096xf32, #tpu.memory_space<vmem>>, %arg7: memref<4096xf32, #tpu.memory_space<vmem>>, %arg8: memref<4096xf32, #tpu.memory_space<vmem>>) attributes {dimension_semantics = [#tpu.dimension_semantics<arbitrary>], iteration_bounds = array<i64: 8>, scalar_prefetch = 0 : i64, scratch_operands = 0 : i64, tpu.core_type = #tpu.core_type<tc>, window_params = [{transform_indices = @transform_0, window_bounds = array<i64: 3, 4096>}, {transform_indices = @transform_1, window_bounds = array<i64: 2048, 3>}, {transform_indices = @transform_2, window_bounds = array<i64: 4096>}, {transform_indices = @transform_3, window_bounds = array<i64: 4096>}, {transform_indices = @transform_4, window_bounds = array<i64: 4096>}, {transform_indices = @transform_5, window_bounds = array<i64: 4096>}, {transform_indices = @transform_6, window_bounds = array<i64: 4096>}, {transform_indices = @transform_7, window_bounds = array<i64: 4096>}]} {
    %get3A = arith.constant 0 : index
    %get3A_0 = arith.constant 0 : index
    %get3A_1 = vector.load %arg1[%get3A, %get3A_0] : memref<3x4096xf32, #tpu.memory_space<vmem>>, vector<3x4096xf32>
    %get3A_2 = arith.constant 0 : index
    %get3A_3 = arith.constant 0 : index
    %get3A_4 = vector.load %arg2[%get3A_2, %get3A_3] : memref<2048x3xf32, #tpu.memory_space<vmem>>, vector<2048x3xf32>
    %mul3A = arith.mulf %get3A_1, %get3A_1 : vector<3x4096xf32>
    %reduce_sum3A = arith.constant dense<0.000000e+00> : vector<4096xf32>
    %reduce_sum3A_5 = vector.multi_reduction <add>, %mul3A, %reduce_sum3A [0] : vector<3x4096xf32> to vector<4096xf32>
    %broadcast_in_dim3A = vector.shape_cast %reduce_sum3A_5 : vector<4096xf32> to vector<1x4096xf32>
    %mul3A_6 = arith.mulf %get3A_4, %get3A_4 : vector<2048x3xf32>
    %reduce_sum3A_7 = arith.constant dense<0.000000e+00> : vector<2048xf32>
    %reduce_sum3A_8 = vector.multi_reduction <add>, %mul3A_6, %reduce_sum3A_7 [1] : vector<2048x3xf32> to vector<2048xf32>
    %broadcast_in_dim3A_9 = vector.shape_cast %reduce_sum3A_8 : vector<2048xf32> to vector<2048x1xf32>
    %dot_general3A = arith.constant dense<0.000000e+00> : vector<2048x4096xf32>
    %dot_general3A_10 = tpu.matmul %get3A_4, %get3A_1, %dot_general3A {dimension_numbers = #tpu.dot_dimension_numbers<[1], [0], [0], [1], [0, 0, 1, 1], [], []>, transpose_lhs_hint = false} : vector<2048x3xf32>, vector<3x4096xf32>, vector<2048x4096xf32> -> vector<2048x4096xf32>
    %add3A = vector.broadcast %broadcast_in_dim3A : vector<1x4096xf32> to vector<2048x4096xf32>
    %add3A_11 = vector.broadcast %broadcast_in_dim3A_9 : vector<2048x1xf32> to vector<2048x4096xf32>
    %add3A_12 = arith.addf %add3A, %add3A_11 : vector<2048x4096xf32>
    %mul3A_13 = arith.constant 2.000000e+00 : f32
    %mul3A_14 = vector.broadcast %mul3A_13 : f32 to vector<2048x4096xf32>
    %mul3A_15 = arith.mulf %mul3A_14, %dot_general3A_10 : vector<2048x4096xf32>
    %sub3A = arith.subf %add3A_12, %mul3A_15 : vector<2048x4096xf32>
    %iota3A = tpu.iota {dimensions = array<i32: 0>} : vector<2048x4096xi32>
    %reduce_min3A = arith.constant dense<0x7F800000> : vector<4096xf32>
    %reduce_min3A_16 = vector.multi_reduction <minimumf>, %sub3A, %reduce_min3A [0] : vector<2048x4096xf32> to vector<4096xf32>
    %broadcast_in_dim3A_17 = vector.shape_cast %reduce_min3A_16 : vector<4096xf32> to vector<1x4096xf32>
    %eq3A = vector.broadcast %broadcast_in_dim3A_17 : vector<1x4096xf32> to vector<2048x4096xf32>
    %eq3A_18 = arith.cmpf oeq, %sub3A, %eq3A : vector<2048x4096xf32>
    %jit3A = arith.constant 2048 : i32
    %broadcast_in_dim3A_19 = vector.broadcast %jit3A : i32 to vector<2048x4096xi32>
    %select_n3A = arith.select %eq3A_18, %iota3A, %broadcast_in_dim3A_19 : vector<2048x4096xi1>, vector<2048x4096xi32>
    %reduce_min3A_20 = arith.constant dense<2147483647> : vector<4096xi32>
    %reduce_min3A_21 = vector.multi_reduction <minsi>, %select_n3A, %reduce_min3A_20 [0] : vector<2048x4096xi32> to vector<4096xi32>
    %broadcast_in_dim3A_22 = vector.shape_cast %reduce_min3A_21 : vector<4096xi32> to vector<1x4096xi32>
    %eq3A_23 = vector.broadcast %broadcast_in_dim3A_22 : vector<1x4096xi32> to vector<2048x4096xi32>
    %eq3A_24 = arith.cmpi eq, %iota3A, %eq3A_23 : vector<2048x4096xi32>
    %jit3A_25 = arith.constant 0x7F800000 : f32
    %broadcast_in_dim3A_26 = vector.broadcast %jit3A_25 : f32 to vector<2048x4096xf32>
    %select_n3A_27 = arith.select %eq3A_24, %broadcast_in_dim3A_26, %sub3A : vector<2048x4096xi1>, vector<2048x4096xf32>
    %reduce_min3A_28 = arith.constant dense<0x7F800000> : vector<4096xf32>
    %reduce_min3A_29 = vector.multi_reduction <minimumf>, %select_n3A_27, %reduce_min3A_28 [0] : vector<2048x4096xf32> to vector<4096xf32>
    %broadcast_in_dim3A_30 = vector.shape_cast %reduce_min3A_29 : vector<4096xf32> to vector<1x4096xf32>
    %eq3A_31 = vector.broadcast %broadcast_in_dim3A_30 : vector<1x4096xf32> to vector<2048x4096xf32>
    %eq3A_32 = arith.cmpf oeq, %select_n3A_27, %eq3A_31 : vector<2048x4096xf32>
    %jit3A_33 = arith.constant 2048 : i32
    %broadcast_in_dim3A_34 = vector.broadcast %jit3A_33 : i32 to vector<2048x4096xi32>
    %select_n3A_35 = arith.select %eq3A_32, %iota3A, %broadcast_in_dim3A_34 : vector<2048x4096xi1>, vector<2048x4096xi32>
    %reduce_min3A_36 = arith.constant dense<2147483647> : vector<4096xi32>
    %reduce_min3A_37 = vector.multi_reduction <minsi>, %select_n3A_35, %reduce_min3A_36 [0] : vector<2048x4096xi32> to vector<4096xi32>
    %broadcast_in_dim3A_38 = vector.shape_cast %reduce_min3A_37 : vector<4096xi32> to vector<1x4096xi32>
    %eq3A_39 = vector.broadcast %broadcast_in_dim3A_38 : vector<1x4096xi32> to vector<2048x4096xi32>
    %eq3A_40 = arith.cmpi eq, %iota3A, %eq3A_39 : vector<2048x4096xi32>
    %jit3A_41 = arith.constant 0x7F800000 : f32
    %broadcast_in_dim3A_42 = vector.broadcast %jit3A_41 : f32 to vector<2048x4096xf32>
    %select_n3A_43 = arith.select %eq3A_40, %broadcast_in_dim3A_42, %select_n3A_27 : vector<2048x4096xi1>, vector<2048x4096xf32>
    %reduce_min3A_44 = arith.constant dense<0x7F800000> : vector<4096xf32>
    %reduce_min3A_45 = vector.multi_reduction <minimumf>, %select_n3A_43, %reduce_min3A_44 [0] : vector<2048x4096xf32> to vector<4096xf32>
    %broadcast_in_dim3A_46 = vector.shape_cast %reduce_min3A_45 : vector<4096xf32> to vector<1x4096xf32>
    %eq3A_47 = vector.broadcast %broadcast_in_dim3A_46 : vector<1x4096xf32> to vector<2048x4096xf32>
    %eq3A_48 = arith.cmpf oeq, %select_n3A_43, %eq3A_47 : vector<2048x4096xf32>
    %jit3A_49 = arith.constant 2048 : i32
    %broadcast_in_dim3A_50 = vector.broadcast %jit3A_49 : i32 to vector<2048x4096xi32>
    %select_n3A_51 = arith.select %eq3A_48, %iota3A, %broadcast_in_dim3A_50 : vector<2048x4096xi1>, vector<2048x4096xi32>
    %reduce_min3A_52 = arith.constant dense<2147483647> : vector<4096xi32>
    %reduce_min3A_53 = vector.multi_reduction <minsi>, %select_n3A_51, %reduce_min3A_52 [0] : vector<2048x4096xi32> to vector<4096xi32>
    %broadcast_in_dim3A_54 = vector.shape_cast %reduce_min3A_53 : vector<4096xi32> to vector<1x4096xi32>
    %concatenate3A = tpu.concatenate %broadcast_in_dim3A_17, %broadcast_in_dim3A_30, %broadcast_in_dim3A_46 in 0 : vector<1x4096xf32>, vector<1x4096xf32>, vector<1x4096xf32> -> vector<3x4096xf32>
    %max3A = arith.constant 0.000000e+00 : f32
    %max3A_55 = vector.broadcast %max3A : f32 to vector<3x4096xf32>
    %max3A_56 = arith.maximumf %concatenate3A, %max3A_55 : vector<3x4096xf32>
    %add3A_57 = arith.constant 9.99999993E-9 : f32
    %add3A_58 = vector.broadcast %add3A_57 : f32 to vector<3x4096xf32>
    %add3A_59 = arith.addf %max3A_56, %add3A_58 : vector<3x4096xf32>
    %div3A = arith.constant 1.000000e+00 : f32
    %div3A_60 = vector.broadcast %div3A : f32 to vector<3x4096xf32>
    %div3A_61 = arith.divf %div3A_60, %add3A_59 : vector<3x4096xf32>
    %reduce_sum3A_62 = arith.constant dense<0.000000e+00> : vector<4096xf32>
    %reduce_sum3A_63 = vector.multi_reduction <add>, %div3A_61, %reduce_sum3A_62 [0] : vector<3x4096xf32> to vector<4096xf32>
    %broadcast_in_dim3A_64 = vector.shape_cast %reduce_sum3A_63 : vector<4096xf32> to vector<1x4096xf32>
    %div3A_65 = vector.broadcast %broadcast_in_dim3A_64 : vector<1x4096xf32> to vector<3x4096xf32>
    %div3A_66 = arith.divf %div3A_61, %div3A_65 : vector<3x4096xf32>
    %jit3A_67 = arith.constant 2 : i32
    %div3A_68 = arith.divsi %arg0, %jit3A_67 : i32
    %sign3A = arith.constant 0 : i32
    %sign3A_69 = arith.cmpi sgt, %arg0, %sign3A : i32
    %sign3A_70 = arith.extui %sign3A_69 : i1 to i32
    %sign3A_71 = arith.constant 0 : i32
    %sign3A_72 = arith.cmpi slt, %arg0, %sign3A_71 : i32
    %sign3A_73 = arith.extui %sign3A_72 : i1 to i32
    %sign3A_74 = arith.subi %sign3A_70, %sign3A_73 : i32
    %sign3A_75 = arith.constant 0 : i32
    %sign3A_76 = arith.cmpi sgt, %jit3A_67, %sign3A_75 : i32
    %sign3A_77 = arith.extui %sign3A_76 : i1 to i32
    %sign3A_78 = arith.constant 0 : i32
    %sign3A_79 = arith.cmpi slt, %jit3A_67, %sign3A_78 : i32
    %sign3A_80 = arith.extui %sign3A_79 : i1 to i32
    %sign3A_81 = arith.subi %sign3A_77, %sign3A_80 : i32
    %ne3A = arith.cmpi ne, %sign3A_74, %sign3A_81 : i32
    %rem3A = arith.remsi %arg0, %jit3A_67 : i32
    %ne3A_82 = arith.constant 0 : i32
    %ne3A_83 = arith.cmpi ne, %rem3A, %ne3A_82 : i32
    %and3A = arith.andi %ne3A, %ne3A_83 : i1
    %sub3A_84 = arith.constant 1 : i32
    %sub3A_85 = arith.subi %div3A_68, %sub3A_84 : i32
    %select_n3A_86 = arith.select %and3A, %sub3A_85, %div3A_68 : i32
    %mul3A_87 = arith.constant 2048 : i32
    %mul3A_88 = arith.muli %select_n3A_86, %mul3A_87 : i32
    %add3A_89 = vector.broadcast %mul3A_88 : i32 to vector<1x4096xi32>
    %add3A_90 = arith.addi %broadcast_in_dim3A_22, %add3A_89 : vector<1x4096xi32>
    %reshape3A = vector.shape_cast %add3A_90 : vector<1x4096xi32> to vector<4096xi32>
    %swap3A = arith.constant 0 : index
    %swap3A_91 = vector.load %arg3[%swap3A] : memref<4096xi32, #tpu.memory_space<vmem>>, vector<4096xi32>
    tpu.vector_store %arg3[%swap3A], %reshape3A {strides = array<i32>} : memref<4096xi32, #tpu.memory_space<vmem>>, vector<4096xi32>,
    %mul3A_92 = arith.constant 2048 : i32
    %mul3A_93 = arith.muli %select_n3A_86, %mul3A_92 : i32
    %add3A_94 = vector.broadcast %mul3A_93 : i32 to vector<1x4096xi32>
    %add3A_95 = arith.addi %broadcast_in_dim3A_38, %add3A_94 : vector<1x4096xi32>
    %reshape3A_96 = vector.shape_cast %add3A_95 : vector<1x4096xi32> to vector<4096xi32>
    %swap3A_97 = arith.constant 0 : index
    %swap3A_98 = vector.load %arg4[%swap3A_97] : memref<4096xi32, #tpu.memory_space<vmem>>, vector<4096xi32>
    tpu.vector_store %arg4[%swap3A_97], %reshape3A_96 {strides = array<i32>} : memref<4096xi32, #tpu.memory_space<vmem>>, vector<4096xi32>,
    %mul3A_99 = arith.constant 2048 : i32
    %mul3A_100 = arith.muli %select_n3A_86, %mul3A_99 : i32
    %add3A_101 = vector.broadcast %mul3A_100 : i32 to vector<1x4096xi32>
    %add3A_102 = arith.addi %broadcast_in_dim3A_54, %add3A_101 : vector<1x4096xi32>
    %reshape3A_103 = vector.shape_cast %add3A_102 : vector<1x4096xi32> to vector<4096xi32>
    %swap3A_104 = arith.constant 0 : index
    %swap3A_105 = vector.load %arg5[%swap3A_104] : memref<4096xi32, #tpu.memory_space<vmem>>, vector<4096xi32>
    tpu.vector_store %arg5[%swap3A_104], %reshape3A_103 {strides = array<i32>} : memref<4096xi32, #tpu.memory_space<vmem>>, vector<4096xi32>,
    %slice3A = vector.extract_strided_slice %div3A_66 {offsets = [0, 0], sizes = [1, 4096], strides = [1, 1]} : vector<3x4096xf32> to vector<1x4096xf32>
    %squeeze3A = vector.shape_cast %slice3A : vector<1x4096xf32> to vector<4096xf32>
    %swap3A_106 = arith.constant 0 : index
    %swap3A_107 = vector.load %arg6[%swap3A_106] : memref<4096xf32, #tpu.memory_space<vmem>>, vector<4096xf32>
    tpu.vector_store %arg6[%swap3A_106], %squeeze3A {strides = array<i32>} : memref<4096xf32, #tpu.memory_space<vmem>>, vector<4096xf32>,
    %slice3A_108 = vector.extract_strided_slice %div3A_66 {offsets = [1, 0], sizes = [1, 4096], strides = [1, 1]} : vector<3x4096xf32> to vector<1x4096xf32>
    %squeeze3A_109 = vector.shape_cast %slice3A_108 : vector<1x4096xf32> to vector<4096xf32>
    %swap3A_110 = arith.constant 0 : index
    %swap3A_111 = vector.load %arg7[%swap3A_110] : memref<4096xf32, #tpu.memory_space<vmem>>, vector<4096xf32>
    tpu.vector_store %arg7[%swap3A_110], %squeeze3A_109 {strides = array<i32>} : memref<4096xf32, #tpu.memory_space<vmem>>, vector<4096xf32>,
    %slice3A_112 = vector.extract_strided_slice %div3A_66 {offsets = [2, 0], sizes = [1, 4096], strides = [1, 1]} : vector<3x4096xf32> to vector<1x4096xf32>
    %squeeze3A_113 = vector.shape_cast %slice3A_112 : vector<1x4096xf32> to vector<4096xf32>
    %swap3A_114 = arith.constant 0 : index
    %swap3A_115 = vector.load %arg8[%swap3A_114] : memref<4096xf32, #tpu.memory_space<vmem>>, vector<4096xf32>
    tpu.vector_store %arg8[%swap3A_114], %squeeze3A_113 {strides = array<i32>} : memref<4096xf32, #tpu.memory_space<vmem>>, vector<4096xf32>,
    return
  }
  func.func @transform_0(%arg0: i32) -> (i32, i32) {
    %c0_i32 = arith.constant 0 : i32
    %c0_i32_0 = arith.constant 0 : i32
    return %c0_i32, %arg0 : i32, i32
  }
  func.func @transform_1(%arg0: i32) -> (i32, i32) {
    %jit3A = arith.constant 2 : i32
    %div3A = arith.divsi %arg0, %jit3A : i32
    %sign3A = arith.constant 0 : i32
    %sign3A_0 = arith.cmpi sgt, %arg0, %sign3A : i32
    %sign3A_1 = arith.extui %sign3A_0 : i1 to i32
    %sign3A_2 = arith.constant 0 : i32
    %sign3A_3 = arith.cmpi slt, %arg0, %sign3A_2 : i32
    %sign3A_4 = arith.extui %sign3A_3 : i1 to i32
    %sign3A_5 = arith.subi %sign3A_1, %sign3A_4 : i32
    %sign3A_6 = arith.constant 0 : i32
    %sign3A_7 = arith.cmpi sgt, %jit3A, %sign3A_6 : i32
    %sign3A_8 = arith.extui %sign3A_7 : i1 to i32
    %sign3A_9 = arith.constant 0 : i32
    %sign3A_10 = arith.cmpi slt, %jit3A, %sign3A_9 : i32
    %sign3A_11 = arith.extui %sign3A_10 : i1 to i32
    %sign3A_12 = arith.subi %sign3A_8, %sign3A_11 : i32
    %ne3A = arith.cmpi ne, %sign3A_5, %sign3A_12 : i32
    %rem3A = arith.remsi %arg0, %jit3A : i32
    %ne3A_13 = arith.constant 0 : i32
    %ne3A_14 = arith.cmpi ne, %rem3A, %ne3A_13 : i32
    %and3A = arith.andi %ne3A, %ne3A_14 : i1
    %sub3A = arith.constant 1 : i32
    %sub3A_15 = arith.subi %div3A, %sub3A : i32
    %select_n3A = arith.select %and3A, %sub3A_15, %div3A : i32
    %c0_i32 = arith.constant 0 : i32
    %c0_i32_16 = arith.constant 0 : i32
    return %select_n3A, %c0_i32 : i32, i32
  }
  func.func @transform_2(%arg0: i32) -> i32 {
    %c0_i32 = arith.constant 0 : i32
    return %arg0 : i32
  }
  func.func @transform_3(%arg0: i32) -> i32 {
    %c0_i32 = arith.constant 0 : i32
    return %arg0 : i32
  }
  func.func @transform_4(%arg0: i32) -> i32 {
    %c0_i32 = arith.constant 0 : i32
    return %arg0 : i32
  }
  func.func @transform_5(%arg0: i32) -> i32 {
    %c0_i32 = arith.constant 0 : i32
    return %arg0 : i32
  }
  func.func @transform_6(%arg0: i32) -> i32 {
    %c0_i32 = arith.constant 0 : i32
    return %arg0 : i32
  }
  func.func @transform_7(%arg0: i32) -> i32 {
    %c0_i32 = arith.constant 0 : i32
    return %arg0 : i32
  }
}

module attributes {stable_mosaic.version = 14 : i64} {
  func.func @_mlp_body(%arg0: i32, %arg1: memref<4096x64xf32, #tpu.memory_space<vmem>>, %arg2: memref<4096x128xf32, #tpu.memory_space<vmem>>, %arg3: memref<128x64xf32, #tpu.memory_space<vmem>>, %arg4: memref<1x64xf32, #tpu.memory_space<vmem>>, %arg5: memref<1x64xf32, #tpu.memory_space<vmem>>, %arg6: memref<1x64xf32, #tpu.memory_space<vmem>>, %arg7: memref<64x64xf32, #tpu.memory_space<vmem>>, %arg8: memref<1x64xf32, #tpu.memory_space<vmem>>, %arg9: memref<1x64xf32, #tpu.memory_space<vmem>>, %arg10: memref<1x64xf32, #tpu.memory_space<vmem>>, %arg11: memref<4096x64xf32, #tpu.memory_space<vmem>>) attributes {dimension_semantics = [#tpu.dimension_semantics<arbitrary>], iteration_bounds = array<i64: 8>, scalar_prefetch = 0 : i64, scratch_operands = 0 : i64, tpu.core_type = #tpu.core_type<tc>, window_params = [{transform_indices = @transform_0, window_bounds = array<i64: 4096, 64>}, {transform_indices = @transform_1, window_bounds = array<i64: 4096, 128>}, {pipeline_mode = #tpu.pipeline_mode<synchronous>, transform_indices = @transform_2, window_bounds = array<i64: 128, 64>}, {pipeline_mode = #tpu.pipeline_mode<synchronous>, transform_indices = @transform_3, window_bounds = array<i64: 1, 64>}, {pipeline_mode = #tpu.pipeline_mode<synchronous>, transform_indices = @transform_4, window_bounds = array<i64: 1, 64>}, {pipeline_mode = #tpu.pipeline_mode<synchronous>, transform_indices = @transform_5, window_bounds = array<i64: 1, 64>}, {pipeline_mode = #tpu.pipeline_mode<synchronous>, transform_indices = @transform_6, window_bounds = array<i64: 64, 64>}, {pipeline_mode = #tpu.pipeline_mode<synchronous>, transform_indices = @transform_7, window_bounds = array<i64: 1, 64>}, {pipeline_mode = #tpu.pipeline_mode<synchronous>, transform_indices = @transform_8, window_bounds = array<i64: 1, 64>}, {pipeline_mode = #tpu.pipeline_mode<synchronous>, transform_indices = @transform_9, window_bounds = array<i64: 1, 64>}, {transform_indices = @transform_10, window_bounds = array<i64: 4096, 64>}]} {
    %get3A = arith.constant 0 : index
    %get3A_0 = arith.constant 0 : index
    %get3A_1 = vector.load %arg1[%get3A, %get3A_0] : memref<4096x64xf32, #tpu.memory_space<vmem>>, vector<4096x64xf32>
    %get3A_2 = arith.constant 0 : index
    %get3A_3 = arith.constant 0 : index
    %get3A_4 = vector.load %arg2[%get3A_2, %get3A_3] : memref<4096x128xf32, #tpu.memory_space<vmem>>, vector<4096x64xf32>
    %get3A_5 = arith.constant 0 : index
    %get3A_6 = arith.constant 0 : index
    %get3A_7 = vector.load %arg3[%get3A_5, %get3A_6] : memref<128x64xf32, #tpu.memory_space<vmem>>, vector<64x64xf32>
    %dot_general3A = arith.constant dense<0.000000e+00> : vector<4096x64xf32>
    %dot_general3A_8 = tpu.matmul %get3A_1, %get3A_7, %dot_general3A {dimension_numbers = #tpu.dot_dimension_numbers<[1], [0], [0], [1], [0, 0, 1, 1], [], []>, transpose_lhs_hint = false} : vector<4096x64xf32>, vector<64x64xf32>, vector<4096x64xf32> -> vector<4096x64xf32>
    %get3A_9 = arith.constant 64 : index
    %get3A_10 = arith.constant 0 : index
    %get3A_11 = vector.load %arg3[%get3A_9, %get3A_10] : memref<128x64xf32, #tpu.memory_space<vmem>>, vector<64x64xf32>
    %dot_general3A_12 = arith.constant dense<0.000000e+00> : vector<4096x64xf32>
    %dot_general3A_13 = tpu.matmul %get3A_4, %get3A_11, %dot_general3A_12 {dimension_numbers = #tpu.dot_dimension_numbers<[1], [0], [0], [1], [0, 0, 1, 1], [], []>, transpose_lhs_hint = false} : vector<4096x64xf32>, vector<64x64xf32>, vector<4096x64xf32> -> vector<4096x64xf32>
    %add3A = arith.addf %dot_general3A_8, %dot_general3A_13 : vector<4096x64xf32>
    %get3A_14 = arith.constant 0 : index
    %get3A_15 = arith.constant 0 : index
    %get3A_16 = vector.load %arg4[%get3A_14, %get3A_15] : memref<1x64xf32, #tpu.memory_space<vmem>>, vector<1x64xf32>
    %add3A_17 = vector.broadcast %get3A_16 : vector<1x64xf32> to vector<4096x64xf32>
    %add3A_18 = arith.addf %add3A, %add3A_17 : vector<4096x64xf32>
    %get3A_19 = arith.constant 0 : index
    %get3A_20 = arith.constant 0 : index
    %get3A_21 = vector.load %arg5[%get3A_19, %get3A_20] : memref<1x64xf32, #tpu.memory_space<vmem>>, vector<1x64xf32>
    %get3A_22 = arith.constant 0 : index
    %get3A_23 = arith.constant 0 : index
    %get3A_24 = vector.load %arg6[%get3A_22, %get3A_23] : memref<1x64xf32, #tpu.memory_space<vmem>>, vector<1x64xf32>
    %reduce_sum3A = arith.constant dense<0.000000e+00> : vector<4096xf32>
    %reduce_sum3A_25 = vector.multi_reduction <add>, %add3A_18, %reduce_sum3A [1] : vector<4096x64xf32> to vector<4096xf32>
    %broadcast_in_dim3A = vector.shape_cast %reduce_sum3A_25 : vector<4096xf32> to vector<4096x1xf32>
    %div3A = arith.constant 6.400000e+01 : f32
    %div3A_26 = vector.broadcast %div3A : f32 to vector<4096x1xf32>
    %div3A_27 = arith.divf %broadcast_in_dim3A, %div3A_26 : vector<4096x1xf32>
    %sub3A = vector.broadcast %div3A_27 : vector<4096x1xf32> to vector<4096x64xf32>
    %sub3A_28 = arith.subf %add3A_18, %sub3A : vector<4096x64xf32>
    %integer_pow3A = arith.mulf %sub3A_28, %sub3A_28 : vector<4096x64xf32>
    %reduce_sum3A_29 = arith.constant dense<0.000000e+00> : vector<4096xf32>
    %reduce_sum3A_30 = vector.multi_reduction <add>, %integer_pow3A, %reduce_sum3A_29 [1] : vector<4096x64xf32> to vector<4096xf32>
    %broadcast_in_dim3A_31 = vector.shape_cast %reduce_sum3A_30 : vector<4096xf32> to vector<4096x1xf32>
    %div3A_32 = arith.constant 6.400000e+01 : f32
    %div3A_33 = vector.broadcast %div3A_32 : f32 to vector<4096x1xf32>
    %div3A_34 = arith.divf %broadcast_in_dim3A_31, %div3A_33 : vector<4096x1xf32>
    %sub3A_35 = vector.broadcast %div3A_27 : vector<4096x1xf32> to vector<4096x64xf32>
    %sub3A_36 = arith.subf %add3A_18, %sub3A_35 : vector<4096x64xf32>
    %add3A_37 = arith.constant 9.99999974E-6 : f32
    %add3A_38 = vector.broadcast %add3A_37 : f32 to vector<4096x1xf32>
    %add3A_39 = arith.addf %div3A_34, %add3A_38 : vector<4096x1xf32>
    %sqrt3A = math.sqrt %add3A_39 : vector<4096x1xf32>
    %div3A_40 = vector.broadcast %sqrt3A : vector<4096x1xf32> to vector<4096x64xf32>
    %div3A_41 = arith.divf %sub3A_36, %div3A_40 : vector<4096x64xf32>
    %mul3A = vector.broadcast %get3A_21 : vector<1x64xf32> to vector<4096x64xf32>
    %mul3A_42 = arith.mulf %div3A_41, %mul3A : vector<4096x64xf32>
    %add3A_43 = vector.broadcast %get3A_24 : vector<1x64xf32> to vector<4096x64xf32>
    %add3A_44 = arith.addf %mul3A_42, %add3A_43 : vector<4096x64xf32>
    %max3A = arith.constant 0.000000e+00 : f32
    %max3A_45 = vector.broadcast %max3A : f32 to vector<4096x64xf32>
    %max3A_46 = arith.maximumf %add3A_44, %max3A_45 : vector<4096x64xf32>
    %get3A_47 = arith.constant 0 : index
    %get3A_48 = arith.constant 0 : index
    %get3A_49 = vector.load %arg7[%get3A_47, %get3A_48] : memref<64x64xf32, #tpu.memory_space<vmem>>, vector<64x64xf32>
    %dot_general3A_50 = arith.constant dense<0.000000e+00> : vector<4096x64xf32>
    %dot_general3A_51 = tpu.matmul %max3A_46, %get3A_49, %dot_general3A_50 {dimension_numbers = #tpu.dot_dimension_numbers<[1], [0], [0], [1], [0, 0, 1, 1], [], []>, transpose_lhs_hint = false} : vector<4096x64xf32>, vector<64x64xf32>, vector<4096x64xf32> -> vector<4096x64xf32>
    %get3A_52 = arith.constant 0 : index
    %get3A_53 = arith.constant 0 : index
    %get3A_54 = vector.load %arg8[%get3A_52, %get3A_53] : memref<1x64xf32, #tpu.memory_space<vmem>>, vector<1x64xf32>
    %add3A_55 = vector.broadcast %get3A_54 : vector<1x64xf32> to vector<4096x64xf32>
    %add3A_56 = arith.addf %dot_general3A_51, %add3A_55 : vector<4096x64xf32>
    %get3A_57 = arith.constant 0 : index
    %get3A_58 = arith.constant 0 : index
    %get3A_59 = vector.load %arg9[%get3A_57, %get3A_58] : memref<1x64xf32, #tpu.memory_space<vmem>>, vector<1x64xf32>
    %get3A_60 = arith.constant 0 : index
    %get3A_61 = arith.constant 0 : index
    %get3A_62 = vector.load %arg10[%get3A_60, %get3A_61] : memref<1x64xf32, #tpu.memory_space<vmem>>, vector<1x64xf32>
    %reduce_sum3A_63 = arith.constant dense<0.000000e+00> : vector<4096xf32>
    %reduce_sum3A_64 = vector.multi_reduction <add>, %add3A_56, %reduce_sum3A_63 [1] : vector<4096x64xf32> to vector<4096xf32>
    %broadcast_in_dim3A_65 = vector.shape_cast %reduce_sum3A_64 : vector<4096xf32> to vector<4096x1xf32>
    %div3A_66 = arith.constant 6.400000e+01 : f32
    %div3A_67 = vector.broadcast %div3A_66 : f32 to vector<4096x1xf32>
    %div3A_68 = arith.divf %broadcast_in_dim3A_65, %div3A_67 : vector<4096x1xf32>
    %sub3A_69 = vector.broadcast %div3A_68 : vector<4096x1xf32> to vector<4096x64xf32>
    %sub3A_70 = arith.subf %add3A_56, %sub3A_69 : vector<4096x64xf32>
    %integer_pow3A_71 = arith.mulf %sub3A_70, %sub3A_70 : vector<4096x64xf32>
    %reduce_sum3A_72 = arith.constant dense<0.000000e+00> : vector<4096xf32>
    %reduce_sum3A_73 = vector.multi_reduction <add>, %integer_pow3A_71, %reduce_sum3A_72 [1] : vector<4096x64xf32> to vector<4096xf32>
    %broadcast_in_dim3A_74 = vector.shape_cast %reduce_sum3A_73 : vector<4096xf32> to vector<4096x1xf32>
    %div3A_75 = arith.constant 6.400000e+01 : f32
    %div3A_76 = vector.broadcast %div3A_75 : f32 to vector<4096x1xf32>
    %div3A_77 = arith.divf %broadcast_in_dim3A_74, %div3A_76 : vector<4096x1xf32>
    %sub3A_78 = vector.broadcast %div3A_68 : vector<4096x1xf32> to vector<4096x64xf32>
    %sub3A_79 = arith.subf %add3A_56, %sub3A_78 : vector<4096x64xf32>
    %add3A_80 = arith.constant 9.99999974E-6 : f32
    %add3A_81 = vector.broadcast %add3A_80 : f32 to vector<4096x1xf32>
    %add3A_82 = arith.addf %div3A_77, %add3A_81 : vector<4096x1xf32>
    %sqrt3A_83 = math.sqrt %add3A_82 : vector<4096x1xf32>
    %div3A_84 = vector.broadcast %sqrt3A_83 : vector<4096x1xf32> to vector<4096x64xf32>
    %div3A_85 = arith.divf %sub3A_79, %div3A_84 : vector<4096x64xf32>
    %mul3A_86 = vector.broadcast %get3A_59 : vector<1x64xf32> to vector<4096x64xf32>
    %mul3A_87 = arith.mulf %div3A_85, %mul3A_86 : vector<4096x64xf32>
    %add3A_88 = vector.broadcast %get3A_62 : vector<1x64xf32> to vector<4096x64xf32>
    %add3A_89 = arith.addf %mul3A_87, %add3A_88 : vector<4096x64xf32>
    %max3A_90 = arith.constant 0.000000e+00 : f32
    %max3A_91 = vector.broadcast %max3A_90 : f32 to vector<4096x64xf32>
    %max3A_92 = arith.maximumf %add3A_89, %max3A_91 : vector<4096x64xf32>
    %swap3A = arith.constant 0 : index
    %swap3A_93 = arith.constant 0 : index
    %swap3A_94 = vector.load %arg11[%swap3A, %swap3A_93] : memref<4096x64xf32, #tpu.memory_space<vmem>>, vector<4096x64xf32>
    tpu.vector_store %arg11[%swap3A, %swap3A_93], %max3A_92 {strides = array<i32>} : memref<4096x64xf32, #tpu.memory_space<vmem>>, vector<4096x64xf32>,
    return
  }
  func.func @transform_0(%arg0: i32) -> (i32, i32) {
    %c0_i32 = arith.constant 0 : i32
    %c0_i32_0 = arith.constant 0 : i32
    return %arg0, %c0_i32 : i32, i32
  }
  func.func @transform_1(%arg0: i32) -> (i32, i32) {
    %c0_i32 = arith.constant 0 : i32
    %c0_i32_0 = arith.constant 0 : i32
    return %arg0, %c0_i32 : i32, i32
  }
  func.func @transform_2(%arg0: i32) -> (i32, i32) {
    %c0_i32 = arith.constant 0 : i32
    %c0_i32_0 = arith.constant 0 : i32
    %c0_i32_1 = arith.constant 0 : i32
    return %c0_i32, %c0_i32_0 : i32, i32
  }
  func.func @transform_3(%arg0: i32) -> (i32, i32) {
    %c0_i32 = arith.constant 0 : i32
    %c0_i32_0 = arith.constant 0 : i32
    %c0_i32_1 = arith.constant 0 : i32
    return %c0_i32, %c0_i32_0 : i32, i32
  }
  func.func @transform_4(%arg0: i32) -> (i32, i32) {
    %c0_i32 = arith.constant 0 : i32
    %c0_i32_0 = arith.constant 0 : i32
    %c0_i32_1 = arith.constant 0 : i32
    return %c0_i32, %c0_i32_0 : i32, i32
  }
  func.func @transform_5(%arg0: i32) -> (i32, i32) {
    %c0_i32 = arith.constant 0 : i32
    %c0_i32_0 = arith.constant 0 : i32
    %c0_i32_1 = arith.constant 0 : i32
    return %c0_i32, %c0_i32_0 : i32, i32
  }
  func.func @transform_6(%arg0: i32) -> (i32, i32) {
    %c0_i32 = arith.constant 0 : i32
    %c0_i32_0 = arith.constant 0 : i32
    %c0_i32_1 = arith.constant 0 : i32
    return %c0_i32, %c0_i32_0 : i32, i32
  }
  func.func @transform_7(%arg0: i32) -> (i32, i32) {
    %c0_i32 = arith.constant 0 : i32
    %c0_i32_0 = arith.constant 0 : i32
    %c0_i32_1 = arith.constant 0 : i32
    return %c0_i32, %c0_i32_0 : i32, i32
  }
  func.func @transform_8(%arg0: i32) -> (i32, i32) {
    %c0_i32 = arith.constant 0 : i32
    %c0_i32_0 = arith.constant 0 : i32
    %c0_i32_1 = arith.constant 0 : i32
    return %c0_i32, %c0_i32_0 : i32, i32
  }
  func.func @transform_9(%arg0: i32) -> (i32, i32) {
    %c0_i32 = arith.constant 0 : i32
    %c0_i32_0 = arith.constant 0 : i32
    %c0_i32_1 = arith.constant 0 : i32
    return %c0_i32, %c0_i32_0 : i32, i32
  }
  func.func @transform_10(%arg0: i32) -> (i32, i32) {
    %c0_i32 = arith.constant 0 : i32
    %c0_i32_0 = arith.constant 0 : i32
    return %arg0, %c0_i32 : i32, i32
  }
}

</mosaic_0001>

<sc_bundles>
// kernel: kernel.5.cloned.1.call-start
scs
__scs_entry_jumppad:
0x0: {  	(pc) =	sbr.rel $0x88, $3  }
0x1: {  	(tag) =	ssettag $0x0;
	lr =	simm.s32 $0x1  }
0x2: {  	[smem:$0x3F95] =	sst lr;
	_ =	strace $0xD0000000  }
0x3: {  	_ = 	snop  }
0x4: {  	_ = 	snop  }
0x5: {  	_ = 	snop  }
0x6: {  	_ = 	snop  }
0x7: {  	_ = 	snop  }
__scs_overlays_trampoline_lowered:
0x8: {  	[smem:$0x3FA4] =	sst s0  }
0x9: {  	[smem:$0x3FA5] =	sst s1  }
0xa: {  	[smem:$0x3FA6] =	sst s2  }
0xb: {  	[smem:$0x3FA7] =	sst s3  }
0xc: {  	[smem:$0x3FA8] =	sst s4  }
0xd: {  	[smem:$0x3FA9] =	sst s5  }
0xe: {  	[smem:$0x3FAA] =	sst s6  }
0xf: {  	[smem:$0x3FAB] =	sst s7  }
0x10: {  	[smem:$0x3FAC] =	sst s8  }
0x11: {  	[smem:$0x3FAD] =	sst s9;
	s0 =	simm.s32 @!p0 $0x0  }
0x12: {  	s1 =	sld [smem:$0x3F93];
	s0 =	simm.s32 @p0 $0x1  }
0x13: {  	[smem:$0x3FAE] =	sst s0;
	s0 =	simm.s32 @!p1 $0x0  }
0x14: {  	s2 =	sld [smem:$0x3F92];
	s0 =	simm.s32 @p1 $0x1  }
0x15: {  	[smem:$0x3FAF] =	sst s0;
	s0 =	simm.s32 @!p2 $0x0  }
0x16: {  	s3 =	sld [smem:$0x3FDB];
	s0 =	simm.s32 @p2 $0x1  }
0x17: {  	s4 =	simm.s32 $0x1BF5;
	[smem:$0x3FB1] =	sst s0  }
0x18: {  	s0 =	sld [smem:$0x3F94];
	_ =	swait.ge [sflag:s4], $0x0  }
0x19: {  	s7 =	sld [smem:$0x3F95]  }
0x1a: {  	s8 =	sadd.s32 $0xFFFFE003, lr  }
0x1b: {  	s9 =	sadd.s32 $0xFFFFFEF7, lr;
	s5 =	simm.s32 $0xFFFFFFFF;
	p2 =	slt.u32 s8, $0xFFFFF086  }
0x1c: {  	p1 =	slt.u32 s9, $0xF7A;
	s5 =	simm.s32 @!p2 $0x0  }
0x1d: {  	s5 =	simm.s32 @p1 $0x1;
	p0 =	seq.s32 s7, s2  }
0x1e: {  	s7 =	smul.u32 @!p0 $0xF7A, s2;
	p2 =	seq.s32 @!p0 s5, $0x0  }
0x1f: {  	s9 =	smul.u32 $0xF7A, s1;
	s8 =	simm.s32 @!p0 $0x1BF5;
	p2 =	por !p2, p0  }
0x20: {  	[sflag:s8] =	ssyncset.s32 @!p0 $0xFFFFF086;
	s6 =	sadd.s32 @!p0 s3, s7;
	s7 =	simm.s32 @!p0 $0x108  }
0x21: {  	s3 =	sadd.s32 s3, s9;
	s6 =	sadd.s32 @!p0 $0x88, s6;
	s7 =	simm.s32 @p2 $0x1082  }
0x22: {  	[simem:s7], [sflag:s8] =	dma.local @!p0 [hbm:s6], $0xF7A  }
0x23: {  	s9 =	sor.u32 $0xD0000000, s2;
	s6 =	simm.s32 $0x108;
	_ =	swait.ge @!p0 [sflag:s8], $0x0  }
0x24: {  	s3 =	sadd.s32 $0x88, s3;
	s6 =	simm.s32 @!p1 $0x1082;
	[sflag:s4] =	ssyncset.s32 $0xFFFFF086  }
0x25: {  	[simem:s6], [sflag:s4] =	dma.local [hbm:s3], $0xF7A  }
0x26: {  	[smem:$0x3F95] =	sst s1;
	(tag) =	ssettag s2;
	_ =	strace s9  }
0x27: {  	s1 =	sld [smem:$0x3FA5]  }
0x28: {  	s2 =	sld [smem:$0x3FA6]  }
0x29: {  	s4 =	sld [smem:$0x3FA8]  }
0x2a: {  	p0 =	seq.s32 s5, $0x0;
	s5 =	sld [smem:$0x3FA9]  }
0x2b: {  	s6 =	sld [smem:$0x3FAA]  }
0x2c: {  	s7 =	sld [smem:$0x3FAB]  }
0x2d: {  	s3 =	simm.s32 $0x108;
	s8 =	sld [smem:$0x3FAC]  }
0x2e: {  	s3 =	simm.s32 @!p0 $0x1082;
	s9 =	sld [smem:$0x3FAD]  }
0x2f: {  	lr =	sadd.s32 s0, s3;
	s0 =	sld [smem:$0x3FA4]  }
0x30: {  	s3 =	sld [smem:$0x3FA7]  }
0x31: {  	[smem:$0x3FB0] =	sst s10  }
0x32: {  	s10 =	sld [smem:$0x3FAE];
	_ =	sdelay $0x3  }
0x33: {  	p0 =	seq.s32 s10, $0x1;
	s10 =	sld [smem:$0x3FB0];
	_ =	sdelay $0x3  }
0x34: {  	[smem:$0x3FB0] =	sst s10  }
0x35: {  	s10 =	sld [smem:$0x3FAF];
	_ =	sdelay $0x3  }
0x36: {  	p1 =	seq.s32 s10, $0x1;
	s10 =	sld [smem:$0x3FB0];
	_ =	sdelay $0x3  }
0x37: {  	[smem:$0x3FB0] =	sst s10  }
0x38: {  	s10 =	sld [smem:$0x3FB1]  }
0x39: {  	_ = 	snop;
	(pc) =	sbr.ind lr, $3  }
0x3a: {  	_ = 	snop  }
0x3b: {  	_ = 	snop  }
0x3c: {  	p2 =	seq.s32 s10, $0x1;
	s10 =	sld [smem:$0x3FB0]  }
0x3d: {  	_ =	shalt  }
0x3e: {  	_ =	shalt  }
0x3f: {  	_ =	shalt  }
0x40: {  	_ =	shalt  }
0x41: {  	_ =	shalt  }
0x42: {  	_ =	shalt  }
0x43: {  	_ =	shalt  }
0x44: {  	_ =	shalt  }
0x45: {  	_ =	shalt  }
0x46: {  	_ =	shalt  }
0x47: {  	_ =	shalt  }
0x48: {  	_ =	shalt  }
0x49: {  	_ =	shalt  }
0x4a: {  	_ =	shalt  }
0x4b: {  	_ =	shalt  }
0x4c: {  	_ =	shalt  }
0x4d: {  	_ =	shalt  }
0x4e: {  	_ =	shalt  }
0x4f: {  	_ =	shalt  }
0x50: {  	_ =	shalt  }
0x51: {  	_ =	shalt  }
0x52: {  	_ =	shalt  }
0x53: {  	_ =	shalt  }
0x54: {  	_ =	shalt  }
0x55: {  	_ =	shalt  }
0x56: {  	_ =	shalt  }
0x57: {  	_ =	shalt  }
0x58: {  	_ =	shalt  }
0x59: {  	_ =	shalt  }
0x5a: {  	_ =	shalt  }
0x5b: {  	_ =	shalt  }
0x5c: {  	_ =	shalt  }
0x5d: {  	_ =	shalt  }
0x5e: {  	_ =	shalt  }
0x5f: {  	_ =	shalt  }
0x60: {  	_ =	shalt  }
0x61: {  	_ =	shalt  }
0x62: {  	_ =	shalt  }
0x63: {  	_ =	shalt  }
0x64: {  	_ =	shalt  }
0x65: {  	_ =	shalt  }
0x66: {  	_ =	shalt  }
0x67: {  	_ =	shalt  }
0x68: {  	_ =	shalt  }
0x69: {  	_ =	shalt  }
0x6a: {  	_ =	shalt  }
0x6b: {  	_ =	shalt  }
0x6c: {  	_ =	shalt  }
0x6d: {  	_ =	shalt  }
0x6e: {  	_ =	shalt  }
0x6f: {  	_ =	shalt  }
0x70: {  	_ =	shalt  }
0x71: {  	_ =	shalt  }
0x72: {  	_ =	shalt  }
0x73: {  	_ =	shalt  }
0x74: {  	_ =	shalt  }
0x75: {  	_ =	shalt  }
0x76: {  	_ =	shalt  }
0x77: {  	_ =	shalt  }
0x78: {  	_ =	shalt  }
0x79: {  	_ =	shalt  }
0x7a: {  	_ =	shalt  }
0x7b: {  	_ =	shalt  }
0x7c: {  	_ =	shalt  }
0x7d: {  	_ =	shalt  }
0x7e: {  	_ =	shalt  }
0x7f: {  	_ =	shalt  }
0x80: {  	_ =	shalt  }
0x81: {  	_ =	shalt  }
0x82: {  	_ =	shalt  }
0x83: {  	_ =	shalt  }
0x84: {  	_ =	shalt  }
0x85: {  	_ =	shalt  }
0x86: {  	_ =	shalt  }
0x87: {  	_ =	shalt  }
.Lfunc_end0:
.L_simem_size_0:
called_computation_lowered:
.L_overlay_start_0:
0x88: {  	s2 =	sld [smem:$0x3FD9]  }
0x89: {  	s3 =	sld [smem:$0x3FFE];
	_ =	sdelay $0x1  }
0x8a: {  	s1 =	srdreg.scid  }
0x8b: {  	s0 =	sand.u32 $0x1, s1  }
0x8c: {  	s17 =	sshll.u32 s0, $0xA;
	s2 =	sadd.s32 s3, s2  }
0x8d: {  	s2 =	sadd.s32 s2, s17  }
0x8e: {  	[smem:$0x3FBC] =	sst s2  }
0x8f: {  	_ = 	snop  }
0x90: {  	s2 =	sld [smem:$0x3FD0];
	(tm) =	ssettm $0x1  }
0x91: {  	s18 =	sld [smem:$0x3FFB];
	_ =	sdelay $0x3  }
0x92: {  	_ =	strace s18  }
0x93: {  	s3 =	sld [smem:$0x3FFC];
	_ =	sdelay $0x3  }
0x94: {  	_ =	strace s3  }
0x95: {  	s3 =	sld [smem:$0x3FFD];
	_ =	sdelay $0x3  }
0x96: {  	_ =	strace s3  }
0x97: {  	_ =	strace $0x8FFFFFFF  }
0x98: {  	s19 =	sld [smem:$0x3FDB];
	_ =	sdelay $0x1  }
0x99: {  	s4 =	simm.s32 $_scs_section_size  }
0x9a: {  	s5 =	simm.s32 $_size__tile_overlayer_lowered;
	s6 =	simm.s32 $_tile_overlayer_lowered  }
0x9b: {  	s22 =	simm.s32 $0x1BFF;
	s21 =	sshll.u32 s6, $0x1;
	s3 =	sadd.s32 s4, s19  }
0x9c: {  	s7 =	simm.s32 $0x0;
	s20 =	sshll.u32 s5, $0x1;
	s5 =	sadd.s32 s21, s3  }
0x9d: {  	[timem:s7], [sflag:s22] =	dma.local [hbm:s5], s20  }
0x9e: {  	_ =	swait.ge [sflag:s22], s20  }
0x9f: {  	s4 =	ssub.s32 $0x0, s20;
	[sflag:s22] =	ssyncset.done $0x0  }
0xa0: {  	[sflag:s22] =	ssyncadd.s32 s4;
	_ =	sdelay $0x1  }
0xa1: {  	s23 =	simm.s32 $0x1B8B  }
0xa2: {  	_ =	swait.ge [sflag:s23], $0x1  }
0xa3: {  	[sflag:s23] =	ssyncset.done $0x0  }
0xa4: {  	s25 =	simm.s32 $0x1B8E;
	s24 =	sld [smem:$0x3FFE];
	[sflag:s23] =	ssyncadd.s32 $0xFFFFFFFF  }
0xa5: {  	s26 =	simm.s32 $execute0_lowered;
	[smem:$0x3FD2] =	sst s25  }
0xa6: {  	s5 =	sshll.u32 s26, $0x1;
	_ =	strace $0x80000046;
	[dreg:$0x1] =	wrdreg $0xFFFFFFFF  }
0xa7: {  	s28 =	simm.s32 $_size_execute0_lowered;
	s3 =	sadd.s32 s3, s5;
	[dreg:$0x0] =	wrdreg $0x0  }
0xa8: {  	s5 =	sshll.u32 s28, $0x1;
	[dreg:$0x2] =	wrdreg s3  }
0xa9: {  	[dreg:$0x3] =	wrdreg s5  }
0xaa: {  	[dreg:$0x4] =	wrdreg $0xC0  }
0xab: {  	_ =	task [dreg:s7], $0x5FFFF  }
0xac: {  	[dreg:$0x1] =	wrdreg $0xFFFFFFFF  }
0xad: {  	[dreg:$0x0] =	wrdreg $0x60  }
0xae: {  	[dreg:$0x2] =	wrdreg s24  }
0xaf: {  	[dreg:$0x3] =	wrdreg s2  }
0xb0: {  	[dreg:$0x4] =	wrdreg $0x9  }
0xb1: {  	_ =	task.clear_ibuf [dreg:s7], $0x5FFFF;
	_ =	strace $0x90000046  }
0xb2: {  	s29 =	simm.s32 $0x9;
	_ =	strace $0x80000048  }
0xb3: {  	_ =	swait.ge [sflag:s29], $0x1  }
0xb4: {  	[sflag:s29] =	ssyncadd.s32 $0xFFFFFFFF  }
0xb5: {  	_ =	strace $0x90000048  }
0xb6: {  	_ =	sfence  }
0xb7: {  	s30 =	sld [smem:$0x0];
	_ =	sdelay $0x2  }
0xb8: {  	s31 =	sshll.u32 s1, $0xD;
	s1 =	sshrl.u32 s1, $0x2  }
0xb9: {  	s3 =	sand.u32 $0x4000, s31;
	s1 =	sadd.s32 s1, s30  }
0xba: {  	s0 =	sor.u32 s3, s0;
	s1 =	sshll.u32 s1, $0x11  }
0xbb: {  	s0 =	sor.u32 s1, s0  }
0xbc: {  	s0 =	sadd.s32 $0x8F2B, s0  }
0xbd: {  	[sflag:s0] =	ssyncadd.remote.s32 $0x1  }
0xbe: {  	_ =	sfence.sel $0xFFFF  }
0xbf: {  	[dreg:$0x0] =	wrdreg $0xFFFFFFFF;
	(pc) =	sbr.abs _section_cstart, $3  }
0xc0: {  	[dreg:$0x1] =	wrdreg $0xFFFFFFFF  }
0xc1: {  	_ =	task.clear_ibuf [dreg:s7], $0x2FFFF;
	_ =	strace $0x9FFFFFFF  }
0xc2: {  	(tm) =	ssettm $0x7FFFFFFF  }
0xc3: {  	_ =	shalt  }
tec
execute0_lowered:
.L_overlay_start_1:
0x0: {  	(tag) =	ssettag $0x1  }
0x1: {  	s0 =	rddreg [dreg:$0x0]  }
0x2: {  	s1 =	rddreg [dreg:$0x1]  }
0x3: {  	s2 =	simm.s32 $0x0;
	s30 =	srdreg.scid;
	s11 =	stileid.u32  }
0x4: {  	s13 =	simm.s32 $0x5;
	s15 =	simm.s32 $0x80;
	s18 =	simm.s32 $0x4480  }
0x5: {  	s19 =	simm.s32 $0x100;
	s20 =	simm.s32 $0x380;
	s21 =	simm.s32 $0x8480  }
0x6: {  	s22 =	simm.s32 $0x1;
	s23 =	simm.s32 $0x2;
	s24 =	simm.s32 $0x3  }
0x7: {  	s25 =	simm.s32 $0xC480;
	s26 =	simm.s32 $0x4;
	[smem:$0x7FF] =	sst s2  }
0x8: {  	s3 =	sadd.s32 $0x2C00, s0;
	s4 =	sadd.s32 $0x3C00, s0;
	s2 =	sand.u32 $0x1, s30  }
0x9: {  	s5 =	sadd.s32 $0x4C00, s0;
	s7 =	sadd.s32 $0x5C00, s0;
	s6 =	ssub.s32 $0x2, s2  }
0xa: {  	s8 =	sadd.s32 $0x6C00, s0;
	s9 =	sadd.s32 $0x7C00, s0;
	s10 =	sshrl.u32 s6, $0x1  }
0xb: {  	s11 =	sshll.u32 s11, $0xB;
	s2 =	sshll.u32 s2, $0xA;
	s6 =	ssub.s32 s6, s10  }
0xc: {  	_ =	strace $0x80000047;
	s11 =	sor.u32 s2, s11;
	s31 =	smax.u32 s6, $0x1  }
0xd: {  	s2 =	simm.s32 $0x0;
	s10 =	sadd.s32 $0x8C00, s0;
	[dreg:$0x3] =	wrdreg s31  }
.LBB2_1:
0xe: {  	[dreg:$0x4] =	wrdreg s2;
	s29 =	simm.s32 $0x0  }
.LBB2_2:
0xf: {  	s0 =	sshll.u32 s29, $0x7  }
0x10: {  	s30 =	sadd.s32 s11, s0  }
0x11: {  	s0 =	sshrl.u32 s30, $0x3  }
0x12: {  	s6 =	simm.s32 $0x0;
	s2 =	sadd.s32 s3, s0  }
0x13: {  	[tilespmem:s6], [sflag:$0x5] =	stream.linear.gather [hbm4b:s2+s6], $0x80, $0x38;
	[tilespmem:$0x10480] =	vst v63  }
0x14: {  	_ =	swait.ge [sflag:s13], $0x80  }
0x15: {  	[sflag:s13] =	ssyncset.done $0x0  }
0x16: {  	s12 =	simm.s32 $0x180;
	s16 =	sadd.s32 s7, s0;
	[sflag:s13] =	ssyncadd.s32 $0xFFFFFF80  }
0x17: {  	[tilespmem:s12], [sflag:$0x5] =	stream.linear.gather [hbm4b:s16+s6], $0x80, $0x38;
	[tilespmem:$0x10480] =	vst v63  }
0x18: {  	_ =	swait.ge [sflag:s13], $0x80  }
0x19: {  	[sflag:s13] =	ssyncset.done $0x0  }
0x1a: {  	s17 =	simm.s32 $0x480;
	[sflag:s13] =	ssyncadd.s32 $0xFFFFFF80  }
0x1b: {  	[tilespmem:s17], [sflag:$0x1] =	stream.indirect.gather [hbm4b:s1+s15], $0x80, s6, s15, $0xb8;
	[tilespmem:$0x10480] =	vst v63  }
0x1c: {  	s12 =	sadd.s32 s4, s0  }
0x1d: {  	[tilespmem:s15], [sflag:$0x5] =	stream.linear.gather [hbm4b:s12+s6], $0x80, $0x38;
	[tilespmem:$0x10480] =	vst v63  }
0x1e: {  	_ =	swait.ge [sflag:s13], $0x80  }
0x1f: {  	[sflag:s13] =	ssyncset.done $0x0  }
0x20: {  	s14 =	sadd.s32 s8, s0;
	s16 =	simm.s32 $0x280;
	[sflag:s13] =	ssyncadd.s32 $0xFFFFFF80  }
0x21: {  	[tilespmem:s16], [sflag:$0x5] =	stream.linear.gather [hbm4b:s14+s6], $0x80, $0x38;
	[tilespmem:$0x10480] =	vst v63  }
0x22: {  	_ =	swait.ge [sflag:s13], $0x80  }
0x23: {  	[sflag:s13] =	ssyncset.done $0x0  }
0x24: {  	[sflag:s13] =	ssyncadd.s32 $0xFFFFFF80  }
0x25: {  	[tilespmem:s18], [sflag:$0x2] =	stream.indirect.gather [hbm4b:s1+s15], $0x80, s15, s15, $0xb8;
	[tilespmem:$0x10480] =	vst v63  }
0x26: {  	s17 =	sadd.s32 s5, s0  }
0x27: {  	[tilespmem:s19], [sflag:$0x5] =	stream.linear.gather [hbm4b:s17+s6], $0x80, $0x38;
	[tilespmem:$0x10480] =	vst v63  }
0x28: {  	_ =	swait.ge [sflag:s13], $0x80  }
0x29: {  	[sflag:s13] =	ssyncset.done $0x0  }
0x2a: {  	s0 =	sadd.s32 s9, s0;
	[sflag:s13] =	ssyncadd.s32 $0xFFFFFF80  }
0x2b: {  	[tilespmem:s20], [sflag:$0x5] =	stream.linear.gather [hbm4b:s0+s6], $0x80, $0x38;
	[tilespmem:$0x10480] =	vst v63  }
0x2c: {  	_ =	swait.ge [sflag:s13], $0x80  }
0x2d: {  	[sflag:s13] =	ssyncset.done $0x0  }
0x2e: {  	[sflag:s13] =	ssyncadd.s32 $0xFFFFFF80  }
0x2f: {  	[tilespmem:s21], [sflag:$0x3] =	stream.indirect.gather [hbm4b:s1+s15], $0x80, s19, s15, $0xb8;
	[tilespmem:$0x10480] =	vst v63  }
0x30: {  	_ =	swait.ge [sflag:s22], $0x4000  }
0x31: {  	[sflag:s22] =	ssyncset.done $0x0  }
0x32: {  	[sflag:s22] =	ssyncadd.s32 $0xFFFFC000  }
0x33: {  	_ =	swait.ge [sflag:s23], $0x4000  }
0x34: {  	[sflag:s23] =	ssyncset.done $0x0  }
0x35: {  	[sflag:s23] =	ssyncadd.s32 $0xFFFFC000  }
0x36: {  	_ =	swait.ge [sflag:s24], $0x4000  }
0x37: {  	[sflag:s24] =	ssyncset.done $0x0  }
0x38: {  	s31 =	simm.s32 $0x0;
	[sflag:s24] =	ssyncadd.s32 $0xFFFFC000  }
0x39: {  	v2 =	vld [tilespmem:s31+$0x84A0]  }
0x3a: {  	v0 =	vld [tilespmem:s31+$0x8490]  }
0x3b: {  	v1 =	vld [tilespmem:s31+$0x4490]  }
0x3c: {  	s6 =	simm.s32 $0x182;
	v4 =	vld [tilespmem:s31+$0x490]  }
0x3d: {  	s0 =	simm.s32 $0x282;
	v5 =	vld.msk [tilespmem:s6+$0xFFFFFFFE ss:$0x0], $0xffff  }
0x3e: {  	v6 =	vld.msk [tilespmem:s0+$0xFFFFFFFE ss:$0x0], $0xffff  }
0x3f: {  	s12 =	simm.s32 $0x382;
	v7 =	vld [tilespmem:s31+$0x4A0]  }
0x40: {  	v8 =	vld.msk [tilespmem:s12+$0xFFFFFFFE ss:$0x0], $0xffff  }
0x41: {  	v9 =	vld [tilespmem:s31+$0x44A0]  }
0x42: {  	v10 =	vld [tilespmem:s31+$0x44B0]  }
0x43: {  	v11 =	vld [tilespmem:s31+$0x4B0]  }
0x44: {  	v12 =	vld [tilespmem:s31+$0x480]  }
0x45: {  	v14 =	vld [tilespmem:s31+$0x4480];
	v4 =	vmul.f32 v4, v5;
	v1 =	vmul.f32 v1, v6  }
0x46: {  	v3 =	vld [tilespmem:s31+$0x84B0]  }
0x47: {  	v13 =	vmul.f32 v0, v8;
	v9 =	vmul.f32 v9, v6;
	v1 =	vadd.f32 v1, v4;
	v4 =	vld [tilespmem:s31+$0x8480]  }
0x48: {  	v7 =	vmul.f32 v7, v5;
	v10 =	vmul.f32 v10, v6  }
0x49: {  	v2 =	vmul.f32 v2, v8;
	v11 =	vmul.f32 v11, v5  }
0x4a: {  	v56 =	vld [tilespmem:s31+$0x4530];
	v5 =	vmul.f32 v12, v5;
	v6 =	vmul.f32 v14, v6;
	v7 =	vadd.f32 v9, v7  }
0x4b: {  	v57 =	vld [tilespmem:s31+$0x500];
	v3 =	vmul.f32 v3, v8;
	v55 =	vadd.f32 v10, v11;
	v13 =	vadd.f32 v13, v1  }
0x4c: {  	v58 =	vld [tilespmem:s31+$0x4500];
	v5 =	vadd.f32 v6, v5;
	v2 =	vadd.f32 v2, v7;
	v4 =	vmul.f32 v4, v8  }
0x4d: {  	v59 =	vld [tilespmem:s31+$0x4510];
	v3 =	vadd.f32 v3, v55;
	[tilespmem:s31+$0xC490] =	vst v13  }
0x4e: {  	v60 =	vld [tilespmem:s31+$0x8500];
	[tilespmem:s31+$0xC4A0] =	vst v2;
	v4 =	vadd.f32 v4, v5  }
0x4f: {  	v7 =	vld [tilespmem:s31+$0x8530];
	[tilespmem:s31+$0xC4B0] =	vst v3  }
0x50: {  	v2 =	vld [tilespmem:s31+$0x530];
	[tilespmem:s31+$0xC480] =	vst v4  }
0x51: {  	v5 =	vld.msk [tilespmem:s6+$0xFFFFFFFF ss:$0x0], $0xffff  }
0x52: {  	v8 =	vld.msk [tilespmem:s0+$0xFFFFFFFF ss:$0x0], $0xffff  }
0x53: {  	v6 =	vld.msk [tilespmem:s12+$0xFFFFFFFF ss:$0x0], $0xffff  }
0x54: {  	v3 =	vld [tilespmem:s31+$0x510]  }
0x55: {  	v4 =	vld [tilespmem:s31+$0x520]  }
0x56: {  	v15 =	vld [tilespmem:s31+$0x4520];
	v2 =	vmul.f32 v2, v5  }
0x57: {  	v61 =	vld [tilespmem:s31+$0x8510];
	v10 =	vmul.f32 v56, v8;
	v9 =	vmul.f32 v57, v5  }
0x58: {  	v62 =	vld [tilespmem:s31+$0x8520];
	v11 =	vmul.f32 v58, v8;
	v7 =	vmul.f32 v7, v6  }
0x59: {  	v3 =	vmul.f32 v3, v5;
	v12 =	vmul.f32 v59, v8;
	v2 =	vadd.f32 v10, v2  }
0x5a: {  	v63 =	vmul.f32 v60, v6;
	v4 =	vmul.f32 v4, v5  }
0x5b: {  	v0 =	vld [tilespmem:s31+$0x580];
	v8 =	vmul.f32 v15, v8;
	v9 =	vadd.f32 v11, v9;
	v7 =	vadd.f32 v7, v2  }
0x5c: {  	v1 =	vld [tilespmem:s31+$0x590];
	v5 =	vmul.f32 v61, v6;
	v12 =	vadd.f32 v12, v3  }
0x5d: {  	v6 =	vmul.f32 v62, v6;
	v3 =	vld [tilespmem:s31+$0x5B0];
	v9 =	vadd.f32 v63, v9;
	[tilespmem:s31+$0xC530] =	vst v7;
	v7 =	vadd.f32 v8, v4  }
0x5e: {  	v2 =	vld [tilespmem:s31+$0x45B0];
	v5 =	vadd.f32 v5, v12  }
0x5f: {  	[tilespmem:s31+$0xC500] =	vst v9;
	v4 =	vld [tilespmem:s31+$0x45A0];
	v7 =	vadd.f32 v6, v7  }
0x60: {  	[tilespmem:s31+$0xC510] =	vst v5;
	v6 =	vld [tilespmem:s31+$0x5A0]  }
0x61: {  	s28 =	simm.s32 $0x382;
	[tilespmem:s31+$0xC520] =	vst v7;
	v7 =	vld [tilespmem:s31+$0x4580]  }
0x62: {  	s2 =	simm.s32 $0x182;
	s14 =	simm.s32 $0x800;
	s16 =	simm.s32 $0x282;
	v5 =	vld.msk [tilespmem:s6+$0x0 ss:$0x0], $0xffff  }
.LBB2_3:
0x63: {  	v8 =	vld.msk [tilespmem:s0+$0x0 ss:$0x0], $0xffff;
	s6 =	sadd.s32 $0x4, s6;
	s16 =	sadd.s32 $0x4, s16;
	s12 =	sadd.s32 $0x4, s12  }
0x64: {  	p0 =	sne.s32 s14, $0xF800;
	s17 =	smov.u32 s14;
	s14 =	sadd.s32 $0x800, s14;
	v9 =	vld.msk [tilespmem:s28+$0x0 ss:$0x0], $0xffff  }
0x65: {  	v10 =	vld [tilespmem:s31+$0x4590]  }
0x66: {  	v11 =	vld [tilespmem:s31+$0x8580]  }
0x67: {  	v12 =	vld [tilespmem:s31+$0x85A0]  }
0x68: {  	v0 =	vmul.f32 v0, v5;
	v1 =	vmul.f32 v1, v5;
	v13 =	vld [tilespmem:s31+$0x8590]  }
0x69: {  	v6 =	vmul.f32 v6, v5;
	v7 =	vmul.f32 v7, v8;
	v14 =	vld [tilespmem:s31+$0x85B0]  }
0x6a: {  	v4 =	vmul.f32 v4, v8;
	v10 =	vmul.f32 v10, v8  }
0x6b: {  	v3 =	vmul.f32 v3, v5;
	v0 =	vadd.f32 v7, v0;
	v7 =	vmul.f32 v11, v9  }
0x6c: {  	v2 =	vmul.f32 v2, v8;
	v4 =	vadd.f32 v4, v6;
	v5 =	vmul.f32 v12, v9;
	v6 =	vld [tilespmem:s31+$0x620]  }
0x6d: {  	v1 =	vadd.f32 v10, v1;
	v0 =	vadd.f32 v7, v0;
	v7 =	vmul.f32 v13, v9;
	v8 =	vld [tilespmem:s31+$0x8630]  }
0x6e: {  	v2 =	vadd.f32 v2, v3;
	v4 =	vadd.f32 v5, v4;
	v3 =	vmul.f32 v14, v9;
	v5 =	vld [tilespmem:s31+$0x4630]  }
0x6f: {  	[tilespmem:s31+$0xC580] =	vst v0;
	v0 =	vadd.f32 v7, v1;
	v1 =	vld [tilespmem:s31+$0x4620]  }
0x70: {  	[tilespmem:s31+$0xC5A0] =	vst v4;
	v2 =	vadd.f32 v3, v2;
	v3 =	vld [tilespmem:s31+$0x4600]  }
0x71: {  	[tilespmem:s31+$0xC590] =	vst v0;
	v0 =	vld [tilespmem:s31+$0x610]  }
0x72: {  	[tilespmem:s31+$0xC5B0] =	vst v2;
	v2 =	vld [tilespmem:s31+$0x600]  }
0x73: {  	v4 =	vld.msk [tilespmem:s2+$0x1 ss:$0x0], $0xffff;
	s2 =	smov.u32 s6  }
0x74: {  	v7 =	vld.msk [tilespmem:s0+$0x1 ss:$0x0], $0xffff;
	s0 =	smov.u32 s16  }
0x75: {  	v9 =	vld.msk [tilespmem:s28+$0x1 ss:$0x0], $0xffff;
	s28 =	smov.u32 s12  }
0x76: {  	v10 =	vld [tilespmem:s31+$0x630]  }
0x77: {  	v11 =	vld [tilespmem:s31+$0x4610]  }
0x78: {  	v12 =	vld [tilespmem:s31+$0x8600]  }
0x79: {  	v2 =	vmul.f32 v2, v4;
	v0 =	vmul.f32 v0, v4;
	v13 =	vld [tilespmem:s31+$0x8610]  }
0x7a: {  	v3 =	vmul.f32 v3, v7;
	v1 =	vmul.f32 v1, v7  }
0x7b: {  	v5 =	vmul.f32 v5, v7;
	v14 =	vld [tilespmem:s31+$0x8620];
	v10 =	vmul.f32 v10, v4  }
0x7c: {  	s17 =	sshra.s32 s17, $0x2;
	v2 =	vadd.f32 v3, v2;
	v3 =	vmul.f32 v11, v7  }
0x7d: {  	v8 =	vmul.f32 v8, v9;
	v7 =	vld [tilespmem:s17+$0x8480];
	v11 =	vmul.f32 v12, v9;
	v5 =	vadd.f32 v5, v10  }
0x7e: {  	v4 =	vmul.f32 v6, v4;
	v10 =	vld [tilespmem:s17+$0x84A0];
	v0 =	vadd.f32 v3, v0;
	v3 =	vmul.f32 v13, v9  }
0x7f: {  	v6 =	vld [tilespmem:s17+$0x8490];
	v2 =	vadd.f32 v11, v2;
	v5 =	vadd.f32 v8, v5  }
0x80: {  	v1 =	vadd.f32 v1, v4;
	v8 =	vld [tilespmem:s17+$0x84B0];
	v0 =	vadd.f32 v3, v0;
	v3 =	vmul.f32 v14, v9  }
0x81: {  	v4 =	vld [tilespmem:s17+$0x4490];
	[tilespmem:s31+$0xC630] =	vst v5  }
0x82: {  	v5 =	vld [tilespmem:s17+$0x4A0];
	[tilespmem:s31+$0xC610] =	vst v0;
	v1 =	vadd.f32 v3, v1  }
0x83: {  	v3 =	vld [tilespmem:s17+$0x490];
	[tilespmem:s31+$0xC600] =	vst v2  }
0x84: {  	v0 =	vld [tilespmem:s17+$0x580];
	[tilespmem:s31+$0xC620] =	vst v1;
	s31 =	smov.u32 s17  }
0x85: {  	v2 =	vld [tilespmem:s31+$0x44B0]  }
0x86: {  	v9 =	vld [tilespmem:s31+$0x4B0]  }
0x87: {  	v11 =	vld.msk [tilespmem:s12+$0xFFFFFFFE ss:$0x0], $0xffff  }
0x88: {  	v12 =	vld.msk [tilespmem:s6+$0xFFFFFFFE ss:$0x0], $0xffff  }
0x89: {  	v13 =	vld.msk [tilespmem:s16+$0xFFFFFFFE ss:$0x0], $0xffff  }
0x8a: {  	v14 =	vld [tilespmem:s31+$0x480]  }
0x8b: {  	v15 =	vld [tilespmem:s31+$0x44A0]  }
0x8c: {  	v1 =	vld [tilespmem:s31+$0x590]  }
0x8d: {  	v6 =	vmul.f32 v6, v11  }
0x8e: {  	v7 =	vmul.f32 v7, v11;
	v3 =	vmul.f32 v3, v12;
	v16 =	vld [tilespmem:s31+$0x4480]  }
0x8f: {  	v4 =	vmul.f32 v4, v13;
	v14 =	vmul.f32 v14, v12  }
0x90: {  	v2 =	vmul.f32 v2, v13;
	v15 =	vmul.f32 v15, v13  }
0x91: {  	v3 =	vadd.f32 v4, v3;
	v4 =	vmul.f32 v5, v12;
	v5 =	vmul.f32 v10, v11  }
0x92: {  	v8 =	vmul.f32 v8, v11;
	v9 =	vmul.f32 v9, v12  }
0x93: {  	v3 =	vadd.f32 v6, v3;
	v4 =	vadd.f32 v15, v4;
	v10 =	vmul.f32 v16, v13  }
0x94: {  	v2 =	vadd.f32 v2, v9  }
0x95: {  	v6 =	vadd.f32 v10, v14;
	[tilespmem:s31+$0xC490] =	vst v3;
	v3 =	vadd.f32 v5, v4;
	v4 =	vld [tilespmem:s31+$0x8530]  }
0x96: {  	v2 =	vadd.f32 v8, v2;
	v5 =	vld [tilespmem:s31+$0x4530]  }
0x97: {  	v6 =	vadd.f32 v7, v6;
	[tilespmem:s31+$0xC4A0] =	vst v3;
	v3 =	vld [tilespmem:s31+$0x530]  }
0x98: {  	[tilespmem:s31+$0xC4B0] =	vst v2;
	v2 =	vld [tilespmem:s31+$0x510]  }
0x99: {  	[tilespmem:s31+$0xC480] =	vst v6;
	v6 =	vld [tilespmem:s31+$0x520]  }
0x9a: {  	v7 =	vld.msk [tilespmem:s6+$0xFFFFFFFF ss:$0x0], $0xffff  }
0x9b: {  	v8 =	vld.msk [tilespmem:s12+$0xFFFFFFFF ss:$0x0], $0xffff  }
0x9c: {  	v9 =	vld [tilespmem:s31+$0x8510]  }
0x9d: {  	v10 =	vld [tilespmem:s31+$0x500]  }
0x9e: {  	v11 =	vld.msk [tilespmem:s16+$0xFFFFFFFF ss:$0x0], $0xffff  }
0x9f: {  	v12 =	vld [tilespmem:s31+$0x4510]  }
0xa0: {  	v6 =	vmul.f32 v6, v7;
	v13 =	vld [tilespmem:s31+$0x4500]  }
0xa1: {  	v9 =	vmul.f32 v9, v8;
	v14 =	vld [tilespmem:s31+$0x4520]  }
0xa2: {  	v10 =	vmul.f32 v10, v7;
	v15 =	vld [tilespmem:s31+$0x8500]  }
0xa3: {  	v2 =	vmul.f32 v2, v7;
	v3 =	vmul.f32 v3, v7;
	v16 =	vld [tilespmem:s31+$0x8520]  }
0xa4: {  	v5 =	vmul.f32 v5, v11;
	v7 =	vmul.f32 v12, v11  }
0xa5: {  	v4 =	vmul.f32 v4, v8;
	v12 =	vmul.f32 v13, v11  }
0xa6: {  	v3 =	vadd.f32 v5, v3;
	v2 =	vadd.f32 v7, v2;
	v7 =	vmul.f32 v14, v11  }
0xa7: {  	v5 =	vadd.f32 v12, v10;
	v10 =	vmul.f32 v15, v8  }
0xa8: {  	v3 =	vadd.f32 v4, v3;
	v6 =	vadd.f32 v7, v6;
	v7 =	vmul.f32 v16, v8  }
0xa9: {  	v4 =	vadd.f32 v10, v5;
	v5 =	vadd.f32 v9, v2;
	v2 =	vld [tilespmem:s31+$0x45B0]  }
.Ltmp0:
0xaa: {  	v7 =	vadd.f32 v7, v6;
	[tilespmem:s31+$0xC530] =	vst v3;
	v3 =	vld [tilespmem:s31+$0x5B0];
	(pc) =	sbr.rel @p0 .LBB2_3-.Ltmp0, $4  }
0xab: {  	[tilespmem:s31+$0xC500] =	vst v4;
	v4 =	vld [tilespmem:s31+$0x45A0]  }
0xac: {  	[tilespmem:s31+$0xC510] =	vst v5;
	v6 =	vld [tilespmem:s31+$0x5A0]  }
0xad: {  	[tilespmem:s31+$0xC520] =	vst v7;
	v7 =	vld [tilespmem:s31+$0x4580]  }
0xae: {  	v5 =	vld.msk [tilespmem:s6+$0x0 ss:$0x0], $0xffff  }
0xaf: {  	v8 =	vld.msk [tilespmem:s0+$0x0 ss:$0x0], $0xffff  }
0xb0: {  	v9 =	vld.msk [tilespmem:s28+$0x0 ss:$0x0], $0xffff  }
0xb1: {  	v10 =	vld [tilespmem:s31+$0x8580]  }
0xb2: {  	v11 =	vld [tilespmem:s31+$0x4590]  }
0xb3: {  	v12 =	vld [tilespmem:s31+$0x85A0]  }
0xb4: {  	v13 =	vld [tilespmem:s31+$0x8590];
	v0 =	vmul.f32 v0, v5;
	v6 =	vmul.f32 v6, v5  }
0xb5: {  	v14 =	vld [tilespmem:s31+$0x85B0];
	v1 =	vmul.f32 v1, v5;
	v7 =	vmul.f32 v7, v8  }
0xb6: {  	v3 =	vmul.f32 v3, v5;
	v4 =	vmul.f32 v4, v8  }
0xb7: {  	v42 =	vld [tilespmem:s31+$0x620];
	v40 =	vmul.f32 v10, v9;
	v41 =	vmul.f32 v11, v8;
	v0 =	vadd.f32 v7, v0  }
0xb8: {  	v44 =	vld [tilespmem:s31+$0x8630];
	v43 =	vmul.f32 v12, v9;
	v2 =	vmul.f32 v2, v8;
	v4 =	vadd.f32 v4, v6  }
0xb9: {  	v45 =	vld [tilespmem:s31+$0x4630];
	v46 =	vmul.f32 v13, v9;
	v1 =	vadd.f32 v41, v1;
	v0 =	vadd.f32 v40, v0  }
0xba: {  	v47 =	vld [tilespmem:s31+$0x4620];
	v48 =	vmul.f32 v14, v9;
	v2 =	vadd.f32 v2, v3;
	v4 =	vadd.f32 v43, v4  }
0xbb: {  	v49 =	vld [tilespmem:s31+$0x4600];
	v1 =	vadd.f32 v46, v1;
	[tilespmem:s31+$0xC580] =	vst v0  }
0xbc: {  	v50 =	vld [tilespmem:s31+$0x610];
	v2 =	vadd.f32 v48, v2;
	[tilespmem:s31+$0xC5A0] =	vst v4  }
0xbd: {  	v51 =	vld [tilespmem:s31+$0x600];
	[tilespmem:s31+$0xC590] =	vst v1  }
0xbe: {  	v54 =	vld [tilespmem:s31+$0x630];
	[tilespmem:s31+$0xC5B0] =	vst v2  }
0xbf: {  	v52 =	vld.msk [tilespmem:s2+$0x1 ss:$0x0], $0xffff  }
0xc0: {  	v53 =	vld.msk [tilespmem:s0+$0x1 ss:$0x0], $0xffff  }
0xc1: {  	v55 =	vld [tilespmem:s31+$0x4610]  }
0xc2: {  	v56 =	vld.msk [tilespmem:s28+$0x1 ss:$0x0], $0xffff  }
0xc3: {  	v57 =	vld [tilespmem:s31+$0x8610]  }
0xc4: {  	v58 =	vld [tilespmem:s31+$0x8600];
	v2 =	vmul.f32 v51, v52;
	v1 =	vmul.f32 v50, v52  }
0xc5: {  	v59 =	vld [tilespmem:s31+$0x8620];
	v8 =	vmul.f32 v54, v52;
	v5 =	vmul.f32 v45, v53  }
0xc6: {  	v4 =	vmul.f32 v49, v53;
	v9 =	vmul.f32 v55, v53  }
0xc7: {  	v0 =	vmul.f32 v47, v53;
	v60 =	vmul.f32 v44, v56;
	v5 =	vadd.f32 v5, v8  }
0xc8: {  	v61 =	vmul.f32 v57, v56;
	v3 =	vmul.f32 v42, v52;
	v1 =	vadd.f32 v9, v1  }
0xc9: {  	v62 =	vmul.f32 v58, v56;
	v2 =	vadd.f32 v4, v2;
	v5 =	vadd.f32 v60, v5  }
0xca: {  	v63 =	vmul.f32 v59, v56;
	v0 =	vadd.f32 v0, v3;
	v1 =	vadd.f32 v61, v1  }
0xcb: {  	v2 =	vadd.f32 v62, v2;
	[tilespmem:s31+$0xC630] =	vst v5  }
0xcc: {  	s29 =	sadd.s32 $0x1, s29;
	v0 =	vadd.f32 v63, v0;
	[tilespmem:s31+$0xC610] =	vst v1  }
0xcd: {  	s30 =	sshll.u32 s30, $0x4;
	p0 =	sne.s32 s29, $0x8;
	[tilespmem:s31+$0xC600] =	vst v2  }
.Ltmp1:
0xce: {  	s0 =	sadd.s32 s10, s30;
	[tilespmem:s31+$0xC620] =	vst v0;
	s31 =	simm.s32 $0x0;
	(pc) =	sbr.rel @p0 .LBB2_2-.Ltmp1, $4  }
0xcf: {  	[hbm4b:s0+s31] =	stream.linear.scatter [tilespmem:s25], [sflag:$0x4], $0x4000, $0x38;
	[tilespmem:$0x10480] =	vst v63  }
0xd0: {  	_ =	swait.ge [sflag:s26], $0x4000  }
0xd1: {  	[sflag:s26] =	ssyncset.done $0x0  }
0xd2: {  	[sflag:s26] =	ssyncadd.s32 $0xFFFFC000  }
0xd3: {  	s2 =	rddreg [dreg:$0x4]  }
0xd4: {  	s0 =	rddreg [dreg:$0x3];
	s2 =	sadd.s32 $0x1, s2  }
0xd5: {  	p0 =	sne.s32 s2, s0  }
.Ltmp2:
0xd6: {  	_ = 	snop;
	(pc) =	sbr.rel @p0 .LBB2_1-.Ltmp2, $1  }
0xd7: {  	_ =	sdelay $0x3  }
0xd8: {  	_ =	sfence.sel $0x180000  }
0xd9: {  	[bflag:$0x0] =	sbarrier.arrive $0xFFFF  }
0xda: {  	_ =	strace $0x90000047  }
0xdb: {  	s0 =	stileid.u32;
	[bflag:$0x2] =	sbarrier.arrive $0xFFFF  }
0xdc: {  	p0 =	sne.s32 s0, $0x0;
	s0 =	rddreg [dreg:$0x2]  }
0xdd: {  	s0 =	sadd.s32 @!p0 $0x100000, s0  }
0xde: {  	[sflag:s0] =	ssyncadd.tile.s32 @!p0 $0x1;
	_ =	shalt  }
.Lfunc_end2:
_tile_overlayer_lowered:
.L_overlay_start_2:
0xdf: {  	(tag) =	ssettag $0x2  }
0xe0: {  	s0 =	rddreg [dreg:$0x0];
	s2 =	stileid.u32  }
0xe1: {  	s1 =	rddreg [dreg:$0x1];
	p0 =	sne.s32 s2, $0x0  }
0xe2: {  	s3 =	rddreg [dreg:$0x2];
	[bflag:$0x3] =	sbarrier.arrive $0xFFFF;
	s2 =	simm.s32 @!p0 $0x1C05  }
0xe3: {  	[timem:s3], [sflag:s2] =	dma.local @!p0 [hbm:s0], s1  }
0xe4: {  	s0 =	simm.s32 @!p0 $0x5  }
0xe5: {  	_ =	swait.ge @!p0 [sflag:s0], s1  }
0xe6: {  	s1 =	ssub.s32 @!p0 $0x0, s1;
	[sflag:s0] =	ssyncset.done @!p0 $0x0  }
0xe7: {  	[sflag:s0] =	ssyncadd.s32 @!p0 s1  }
0xe8: {  	[bflag:$0x3] =	sbarrier.arrive $0xFFFF  }
0xe9: {  	_ =	shalt  }

</sc_bundles>
